<compile_context>
chip_gen: v7x
topology: tpu7x:2x2x1
jax: 0.10.2.dev20260603
libtpu: 0.0.44.dev20260713+nightly
codegen_flags: <defaults>
</compile_context>

<pallas_src>
import functools

import jax
import jax.numpy as jnp
from jax import lax
from jax.experimental import pallas as pl
from jax.experimental.pallas import tpu as pltpu
from jax.experimental.pallas import tpu_sc as plsc

N_NODES = 10000
N_EDGES = 320000
D = 128
DH = D // 2
NC = 2
NS = 16
E_PER_TILE = N_EDGES // NS
G = 80
NCHUNK = E_PER_TILE // G
N_PAD = 10240
ROWS_PER_TILE = N_PAD // NS
ZR = 128


def _sc_partials(rows, cols, edge_vals, xs):
    mesh = plsc.VectorSubcoreMesh(core_axis_name="c", subcore_axis_name="s")

    @functools.partial(
        pl.kernel,
        mesh=mesh,
        compiler_params=pltpu.CompilerParams(use_tc_tiling_on_sc=False),
        out_type=jax.ShapeDtypeStruct((NC, N_PAD, DH), jnp.float32),
        scratch_types=[
            pltpu.VMEM((NCHUNK, G), jnp.int32),
            pltpu.VMEM((NCHUNK, G), jnp.int32),
            pltpu.VMEM((NCHUNK, G), jnp.float32),
            pltpu.VMEM((2, G, DH), jnp.float32),
            pltpu.VMEM((ZR, DH), jnp.float32),
            pltpu.VMEM_SHARED((N_PAD, DH), jnp.float32),
            pltpu.SemaphoreType.DMA((2,)),
            pltpu.SemaphoreType.DMA((2,)),
        ],
    )
    def body(rows_hbm, cols_hbm, ev_hbm, xs_hbm, out_hbm, rows_v, cols_v,
             vals_v, gbuf, zbuf, acc, gsem, ssem):
        cid = lax.axis_index("c")
        sid = lax.axis_index("s")

        pltpu.sync_copy(rows_hbm.at[sid], rows_v)
        pltpu.sync_copy(cols_hbm.at[sid], cols_v)
        pltpu.sync_copy(ev_hbm.at[sid], vals_v)

        zrow = jnp.zeros((16,), jnp.float32)

        def zinit(i, carry):
            for j in range(DH // 16):
                zbuf[i, pl.ds(j * 16, 16)] = zrow
            return carry

        lax.fori_loop(0, ZR, zinit, 0)
        for k in range(ROWS_PER_TILE // ZR):
            pltpu.sync_copy(
                zbuf, acc.at[pl.ds(sid * ROWS_PER_TILE + k * ZR, ZR)])
        plsc.subcore_barrier()

        def gather_cp(i, b):
            return pltpu.make_async_copy(
                xs_hbm.at[cid].at[cols_v.at[i]], gbuf.at[b], gsem.at[b])

        def scatter_cp(i, b):
            return pltpu.make_async_copy(
                gbuf.at[b], acc.at[rows_v.at[i]], ssem.at[b])

        def scale(i, b):
            def scale_g(g, c2):
                v16 = vals_v[i, pl.ds(g * 16, 16)]
                for l in range(16):
                    s = v16[l]
                    e = g * 16 + l
                    for j in range(DH // 16):
                        gbuf[b, e, pl.ds(j * 16, 16)] = (
                            gbuf[b, e, pl.ds(j * 16, 16)] * s)
                return c2

            lax.fori_loop(0, G // 16, scale_g, 0)

        gather_cp(0, 0).start()

        def step(i, carry):
            b = lax.rem(i, 2)
            ob = 1 - b
            gather_cp(i, b).wait()

            @pl.when(i >= 1)
            def _():
                scatter_cp(i - 1, ob).wait()

            @pl.when(i + 1 < NCHUNK)
            def _():
                gather_cp(i + 1, ob).start()

            scale(i, b)
            scatter_cp(i, b).start(add=True)
            return carry

        lax.fori_loop(0, NCHUNK, step, 0)
        scatter_cp(NCHUNK - 1, (NCHUNK - 1) % 2).wait()
        plsc.subcore_barrier()

        pltpu.sync_copy(
            acc.at[pl.ds(sid * ROWS_PER_TILE, ROWS_PER_TILE)],
            out_hbm.at[cid, pl.ds(sid * ROWS_PER_TILE, ROWS_PER_TILE)])

    return body(rows, cols, edge_vals, xs)


def _tc_concat(partials):
    def body(a_ref, b_ref, o_ref):
        o_ref[:, :DH] = a_ref[...]
        o_ref[:, DH:] = b_ref[...]

    return pl.pallas_call(
        body,
        grid=(10,),
        in_specs=[
            pl.BlockSpec((N_PAD // 10, DH), lambda i: (i, 0)),
            pl.BlockSpec((N_PAD // 10, DH), lambda i: (i, 0)),
        ],
        out_specs=pl.BlockSpec((N_PAD // 10, D), lambda i: (i, 0)),
        out_shape=jax.ShapeDtypeStruct((N_PAD, D), jnp.float32),
    )(partials[0], partials[1])


def kernel(edge_index, edge_vals, x):
    rows = edge_index[0].reshape(NS, NCHUNK, G)
    cols = edge_index[1].reshape(NS, NCHUNK, G)
    vals = edge_vals.reshape(NS, NCHUNK, G)
    xs = x.reshape(N_NODES, 2, DH).transpose(1, 0, 2)
    partials = _sc_partials(rows, cols, vals, xs)
    return _tc_concat(partials)[:N_NODES]

# --- scband reference (transcript-rebuilt; emitter-appended) ---
"""Pipeline reference for scband-gcnlayer-15633680958305 (READ-ONLY COPY).

The authoritative reference and input builder live on the scoring server;
editing this copy changes nothing except your own understanding.
"""

import jax, jax.numpy as jnp
import numpy as np

N_NODES = 10000
N_EDGES = 320000
D_FEAT = 128


def setup_inputs(seed: int = 0) -> dict:
    key = jax.random.key(seed)
    k1, k2, k3 = jax.random.split(key, 3)
    # COO representation of the sparse adjacency matrix adj [N, N]:
    # edge_index[0] = row indices (destination), edge_index[1] = col indices (source)
    edge_index = jax.random.randint(k1, (2, N_EDGES), 0, N_NODES, dtype=jnp.int32)
    edge_vals = jax.random.uniform(k2, (N_EDGES,), dtype=jnp.float32)
    x = jax.random.normal(k3, (N_NODES, D_FEAT), dtype=jnp.float32)
    return {"edge_index": edge_index, "edge_vals": edge_vals, "x": x}


def reference(edge_index, edge_vals, x):
    # Faithful translation of torch.sparse.mm(adj, x) with adj in COO form:
    # out[i, :] = sum_{e : rows[e]==i} vals[e] * x[cols[e], :]
    rows = edge_index[0]
    cols = edge_index[1]
    gathered = jnp.take(x, cols, axis=0)              # gather: [E, D]
    msgs = edge_vals[:, None] * gathered              # scale by nonzero values
    out = jax.ops.segment_sum(msgs, rows, num_segments=N_NODES)  # scatter-add
    return out

if __name__ == "__main__":
    import jax
    _d = setup_inputs()
    print(jax.jit(kernel)(*tuple(_d.values())))

</pallas_src>

<mosaic_0001>
#map = affine_map<(d0, d1) -> (0, 0, 0)>
module attributes {stable_mosaic.version = 14 : i64} {
  func.func @body(%arg0: i32, %arg1: i32, %arg2: memref<16x250x80xi32, #tpu.memory_space<hbm>>, %arg3: memref<16x250x80xi32, #tpu.memory_space<hbm>>, %arg4: memref<16x250x80xf32, #tpu.memory_space<hbm>>, %arg5: memref<2x10000x64xf32, #tpu.memory_space<hbm>>, %arg6: memref<2x10240x64xf32, #tpu.memory_space<hbm>>, %arg7: memref<250x80xi32, #tpu.memory_space<vmem>>, %arg8: memref<250x80xi32, #tpu.memory_space<vmem>>, %arg9: memref<250x80xf32, #tpu.memory_space<vmem>>, %arg10: memref<2x80x64xf32, #tpu.memory_space<vmem>>, %arg11: memref<128x64xf32, #tpu.memory_space<vmem>>, %arg12: memref<10240x64xf32, #tpu.memory_space<vmem_shared>>, %arg13: memref<2x!tpu.dma_semaphore, #tpu.memory_space<semaphore_mem>>, %arg14: memref<2x!tpu.dma_semaphore, #tpu.memory_space<semaphore_mem>>) attributes {dimension_semantics = [#tpu.dimension_semantics<core_parallel>, #tpu.dimension_semantics<subcore_parallel>], iteration_bounds = array<i64: 2, 16>, scalar_prefetch = 0 : i64, scratch_operands = 8 : i64, tpu.core_type = #tpu.core_type<sc_vector_subcore>, window_params = [{transform_indices = #map}, {transform_indices = #map}, {transform_indices = #map}, {transform_indices = #map}, {transform_indices = #map}]} {
    "tpu.region"() ({
      %run_scoped3A = tpu.sem_alloc : memref<!tpu.dma_semaphore, #tpu.memory_space<semaphore_mem>>
      %dma_start3A_67 = arith.constant 0 : i32
      %dma_start3A_68 = arith.constant 0 : i32
      %dma_start3A_69 = tpu.memref_slice %arg2[%arg1, %dma_start3A_67, %dma_start3A_68] : memref<16x250x80xi32, #tpu.memory_space<hbm>> -> memref<1x250x80xi32, #tpu.memory_space<hbm>>
      %dma_start3A_70 = tpu.memref_squeeze %dma_start3A_69 : memref<1x250x80xi32, #tpu.memory_space<hbm>> -> memref<250x80xi32, #tpu.memory_space<hbm>>
      %dma_start3A_71 = arith.constant 0 : i32
      %dma_start3A_72 = arith.constant 0 : i32
      %dma_start3A_73 = tpu.memref_slice %arg2[%arg1, %dma_start3A_71, %dma_start3A_72] : memref<16x250x80xi32, #tpu.memory_space<hbm>> -> memref<1x250x80xi32, #tpu.memory_space<hbm>>
      %dma_start3A_74 = tpu.memref_squeeze %dma_start3A_73 : memref<1x250x80xi32, #tpu.memory_space<hbm>> -> memref<250x80xi32, #tpu.memory_space<hbm>>
      tpu.enqueue_dma source(%dma_start3A_74 : memref<250x80xi32, #tpu.memory_space<hbm>>) target(%arg7 : memref<250x80xi32, #tpu.memory_space<vmem>>) target_semaphore(%run_scoped3A : memref<!tpu.dma_semaphore, #tpu.memory_space<semaphore_mem>>)
      %dma_wait3A_75 = arith.constant 0 : i32
      %dma_wait3A_76 = arith.constant 0 : i32
      %dma_wait3A_77 = tpu.memref_slice %arg2[%arg1, %dma_wait3A_75, %dma_wait3A_76] : memref<16x250x80xi32, #tpu.memory_space<hbm>> -> memref<1x250x80xi32, #tpu.memory_space<hbm>>
      %dma_wait3A_78 = tpu.memref_squeeze %dma_wait3A_77 : memref<1x250x80xi32, #tpu.memory_space<hbm>> -> memref<250x80xi32, #tpu.memory_space<hbm>>
      %dma_wait3A_79 = arith.constant 0 : i32
      %dma_wait3A_80 = arith.constant 0 : i32
      %dma_wait3A_81 = tpu.memref_slice %arg2[%arg1, %dma_wait3A_79, %dma_wait3A_80] : memref<16x250x80xi32, #tpu.memory_space<hbm>> -> memref<1x250x80xi32, #tpu.memory_space<hbm>>
      %dma_wait3A_82 = tpu.memref_squeeze %dma_wait3A_81 : memref<1x250x80xi32, #tpu.memory_space<hbm>> -> memref<250x80xi32, #tpu.memory_space<hbm>>
      tpu.wait_dma2 semaphore(%run_scoped3A : memref<!tpu.dma_semaphore, #tpu.memory_space<semaphore_mem>>) src(%dma_wait3A_82 : memref<250x80xi32, #tpu.memory_space<hbm>>) dst(%arg7 : memref<250x80xi32, #tpu.memory_space<vmem>>)
      tpu.yield
    }) : () -> ()
    "tpu.region"() ({
      %run_scoped3A = tpu.sem_alloc : memref<!tpu.dma_semaphore, #tpu.memory_space<semaphore_mem>>
      %dma_start3A_67 = arith.constant 0 : i32
      %dma_start3A_68 = arith.constant 0 : i32
      %dma_start3A_69 = tpu.memref_slice %arg3[%arg1, %dma_start3A_67, %dma_start3A_68] : memref<16x250x80xi32, #tpu.memory_space<hbm>> -> memref<1x250x80xi32, #tpu.memory_space<hbm>>
      %dma_start3A_70 = tpu.memref_squeeze %dma_start3A_69 : memref<1x250x80xi32, #tpu.memory_space<hbm>> -> memref<250x80xi32, #tpu.memory_space<hbm>>
      %dma_start3A_71 = arith.constant 0 : i32
      %dma_start3A_72 = arith.constant 0 : i32
      %dma_start3A_73 = tpu.memref_slice %arg3[%arg1, %dma_start3A_71, %dma_start3A_72] : memref<16x250x80xi32, #tpu.memory_space<hbm>> -> memref<1x250x80xi32, #tpu.memory_space<hbm>>
      %dma_start3A_74 = tpu.memref_squeeze %dma_start3A_73 : memref<1x250x80xi32, #tpu.memory_space<hbm>> -> memref<250x80xi32, #tpu.memory_space<hbm>>
      tpu.enqueue_dma source(%dma_start3A_74 : memref<250x80xi32, #tpu.memory_space<hbm>>) target(%arg8 : memref<250x80xi32, #tpu.memory_space<vmem>>) target_semaphore(%run_scoped3A : memref<!tpu.dma_semaphore, #tpu.memory_space<semaphore_mem>>)
      %dma_wait3A_75 = arith.constant 0 : i32
      %dma_wait3A_76 = arith.constant 0 : i32
      %dma_wait3A_77 = tpu.memref_slice %arg3[%arg1, %dma_wait3A_75, %dma_wait3A_76] : memref<16x250x80xi32, #tpu.memory_space<hbm>> -> memref<1x250x80xi32, #tpu.memory_space<hbm>>
      %dma_wait3A_78 = tpu.memref_squeeze %dma_wait3A_77 : memref<1x250x80xi32, #tpu.memory_space<hbm>> -> memref<250x80xi32, #tpu.memory_space<hbm>>
      %dma_wait3A_79 = arith.constant 0 : i32
      %dma_wait3A_80 = arith.constant 0 : i32
      %dma_wait3A_81 = tpu.memref_slice %arg3[%arg1, %dma_wait3A_79, %dma_wait3A_80] : memref<16x250x80xi32, #tpu.memory_space<hbm>> -> memref<1x250x80xi32, #tpu.memory_space<hbm>>
      %dma_wait3A_82 = tpu.memref_squeeze %dma_wait3A_81 : memref<1x250x80xi32, #tpu.memory_space<hbm>> -> memref<250x80xi32, #tpu.memory_space<hbm>>
      tpu.wait_dma2 semaphore(%run_scoped3A : memref<!tpu.dma_semaphore, #tpu.memory_space<semaphore_mem>>) src(%dma_wait3A_82 : memref<250x80xi32, #tpu.memory_space<hbm>>) dst(%arg8 : memref<250x80xi32, #tpu.memory_space<vmem>>)
      tpu.yield
    }) : () -> ()
    "tpu.region"() ({
      %run_scoped3A = tpu.sem_alloc : memref<!tpu.dma_semaphore, #tpu.memory_space<semaphore_mem>>
      %dma_start3A_67 = arith.constant 0 : i32
      %dma_start3A_68 = arith.constant 0 : i32
      %dma_start3A_69 = tpu.memref_slice %arg4[%arg1, %dma_start3A_67, %dma_start3A_68] : memref<16x250x80xf32, #tpu.memory_space<hbm>> -> memref<1x250x80xf32, #tpu.memory_space<hbm>>
      %dma_start3A_70 = tpu.memref_squeeze %dma_start3A_69 : memref<1x250x80xf32, #tpu.memory_space<hbm>> -> memref<250x80xf32, #tpu.memory_space<hbm>>
      %dma_start3A_71 = arith.constant 0 : i32
      %dma_start3A_72 = arith.constant 0 : i32
      %dma_start3A_73 = tpu.memref_slice %arg4[%arg1, %dma_start3A_71, %dma_start3A_72] : memref<16x250x80xf32, #tpu.memory_space<hbm>> -> memref<1x250x80xf32, #tpu.memory_space<hbm>>
      %dma_start3A_74 = tpu.memref_squeeze %dma_start3A_73 : memref<1x250x80xf32, #tpu.memory_space<hbm>> -> memref<250x80xf32, #tpu.memory_space<hbm>>
      tpu.enqueue_dma source(%dma_start3A_74 : memref<250x80xf32, #tpu.memory_space<hbm>>) target(%arg9 : memref<250x80xf32, #tpu.memory_space<vmem>>) target_semaphore(%run_scoped3A : memref<!tpu.dma_semaphore, #tpu.memory_space<semaphore_mem>>)
      %dma_wait3A_75 = arith.constant 0 : i32
      %dma_wait3A_76 = arith.constant 0 : i32
      %dma_wait3A_77 = tpu.memref_slice %arg4[%arg1, %dma_wait3A_75, %dma_wait3A_76] : memref<16x250x80xf32, #tpu.memory_space<hbm>> -> memref<1x250x80xf32, #tpu.memory_space<hbm>>
      %dma_wait3A_78 = tpu.memref_squeeze %dma_wait3A_77 : memref<1x250x80xf32, #tpu.memory_space<hbm>> -> memref<250x80xf32, #tpu.memory_space<hbm>>
      %dma_wait3A_79 = arith.constant 0 : i32
      %dma_wait3A_80 = arith.constant 0 : i32
      %dma_wait3A_81 = tpu.memref_slice %arg4[%arg1, %dma_wait3A_79, %dma_wait3A_80] : memref<16x250x80xf32, #tpu.memory_space<hbm>> -> memref<1x250x80xf32, #tpu.memory_space<hbm>>
      %dma_wait3A_82 = tpu.memref_squeeze %dma_wait3A_81 : memref<1x250x80xf32, #tpu.memory_space<hbm>> -> memref<250x80xf32, #tpu.memory_space<hbm>>
      tpu.wait_dma2 semaphore(%run_scoped3A : memref<!tpu.dma_semaphore, #tpu.memory_space<semaphore_mem>>) src(%dma_wait3A_82 : memref<250x80xf32, #tpu.memory_space<hbm>>) dst(%arg9 : memref<250x80xf32, #tpu.memory_space<vmem>>)
      tpu.yield
    }) : () -> ()
    %broadcast_in_dim3A = arith.constant 0.000000e+00 : f32
    %broadcast_in_dim3A_0 = vector.broadcast %broadcast_in_dim3A : f32 to vector<16xf32>
    %scan3A = arith.constant 0 : i32
    %scan3A_1 = arith.constant 0 : i32
    %scan3A_2 = arith.constant 128 : i32
    %scan3A_3 = arith.addi %scan3A_1, %scan3A_2 : i32
    %scan3A_4 = arith.constant 1 : i32
    scf.for %scan3A_67 = %scan3A_1 to %scan3A_3 step %scan3A_4  : i32 {
      %swap3A = arith.index_cast %scan3A_67 : i32 to index
      %swap3A_68 = arith.constant 0 : index
      %swap3A_69 = tpu.vector_load %arg11[%swap3A, %swap3A_68] {strides = array<i32>} : memref<128x64xf32, #tpu.memory_space<vmem>>, vector<1x16xf32>,
      %swap3A_70 = vector.shape_cast %swap3A_69 : vector<1x16xf32> to vector<16xf32>
      %swap3A_71 = vector.shape_cast %broadcast_in_dim3A_0 : vector<16xf32> to vector<1x16xf32>
      tpu.vector_store %arg11[%swap3A, %swap3A_68], %swap3A_71 {strides = array<i32>} : memref<128x64xf32, #tpu.memory_space<vmem>>, vector<1x16xf32>,
      %swap3A_72 = arith.index_cast %scan3A_67 : i32 to index
      %swap3A_73 = arith.constant 16 : index
      %swap3A_74 = tpu.vector_load %arg11[%swap3A_72, %swap3A_73] {strides = array<i32>} : memref<128x64xf32, #tpu.memory_space<vmem>>, vector<1x16xf32>,
      %swap3A_75 = vector.shape_cast %swap3A_74 : vector<1x16xf32> to vector<16xf32>
      %swap3A_76 = vector.shape_cast %broadcast_in_dim3A_0 : vector<16xf32> to vector<1x16xf32>
      tpu.vector_store %arg11[%swap3A_72, %swap3A_73], %swap3A_76 {strides = array<i32>} : memref<128x64xf32, #tpu.memory_space<vmem>>, vector<1x16xf32>,
      %swap3A_77 = arith.index_cast %scan3A_67 : i32 to index
      %swap3A_78 = arith.constant 32 : index
      %swap3A_79 = tpu.vector_load %arg11[%swap3A_77, %swap3A_78] {strides = array<i32>} : memref<128x64xf32, #tpu.memory_space<vmem>>, vector<1x16xf32>,
      %swap3A_80 = vector.shape_cast %swap3A_79 : vector<1x16xf32> to vector<16xf32>
      %swap3A_81 = vector.shape_cast %broadcast_in_dim3A_0 : vector<16xf32> to vector<1x16xf32>
      tpu.vector_store %arg11[%swap3A_77, %swap3A_78], %swap3A_81 {strides = array<i32>} : memref<128x64xf32, #tpu.memory_space<vmem>>, vector<1x16xf32>,
      %swap3A_82 = arith.index_cast %scan3A_67 : i32 to index
      %swap3A_83 = arith.constant 48 : index
      %swap3A_84 = tpu.vector_load %arg11[%swap3A_82, %swap3A_83] {strides = array<i32>} : memref<128x64xf32, #tpu.memory_space<vmem>>, vector<1x16xf32>,
      %swap3A_85 = vector.shape_cast %swap3A_84 : vector<1x16xf32> to vector<16xf32>
      %swap3A_86 = vector.shape_cast %broadcast_in_dim3A_0 : vector<16xf32> to vector<1x16xf32>
      tpu.vector_store %arg11[%swap3A_82, %swap3A_83], %swap3A_86 {strides = array<i32>} : memref<128x64xf32, #tpu.memory_space<vmem>>, vector<1x16xf32>,
    }
    %scan3A_5 = arith.constant 128 : i32
    %mul3A = arith.constant 640 : i32
    %mul3A_6 = arith.muli %arg1, %mul3A : i32
    %add3A = arith.constant 0 : i32
    %add3A_7 = arith.addi %mul3A_6, %add3A : i32
    "tpu.region"() ({
      %run_scoped3A = tpu.sem_alloc : memref<!tpu.dma_semaphore, #tpu.memory_space<semaphore_mem>>
      %dma_start3A_67 = arith.constant 0 : i32
      %dma_start3A_68 = tpu.memref_slice %arg12[%add3A_7, %dma_start3A_67] : memref<10240x64xf32, #tpu.memory_space<vmem_shared>> -> memref<128x64xf32, #tpu.memory_space<vmem_shared>>
      %dma_start3A_69 = arith.constant 0 : i32
      %dma_start3A_70 = tpu.memref_slice %arg12[%add3A_7, %dma_start3A_69] : memref<10240x64xf32, #tpu.memory_space<vmem_shared>> -> memref<128x64xf32, #tpu.memory_space<vmem_shared>>
      tpu.enqueue_dma source(%arg11 : memref<128x64xf32, #tpu.memory_space<vmem>>) target(%dma_start3A_70 : memref<128x64xf32, #tpu.memory_space<vmem_shared>>) target_semaphore(%run_scoped3A : memref<!tpu.dma_semaphore, #tpu.memory_space<semaphore_mem>>)
      %dma_wait3A_71 = arith.constant 0 : i32
      %dma_wait3A_72 = tpu.memref_slice %arg12[%add3A_7, %dma_wait3A_71] : memref<10240x64xf32, #tpu.memory_space<vmem_shared>> -> memref<128x64xf32, #tpu.memory_space<vmem_shared>>
      %dma_wait3A_73 = arith.constant 0 : i32
      %dma_wait3A_74 = tpu.memref_slice %arg12[%add3A_7, %dma_wait3A_73] : memref<10240x64xf32, #tpu.memory_space<vmem_shared>> -> memref<128x64xf32, #tpu.memory_space<vmem_shared>>
      tpu.wait_dma2 semaphore(%run_scoped3A : memref<!tpu.dma_semaphore, #tpu.memory_space<semaphore_mem>>) src(%arg11 : memref<128x64xf32, #tpu.memory_space<vmem>>) dst(%dma_wait3A_74 : memref<128x64xf32, #tpu.memory_space<vmem_shared>>)
      tpu.yield
    }) : () -> ()
    %mul3A_8 = arith.constant 640 : i32
    %mul3A_9 = arith.muli %arg1, %mul3A_8 : i32
    %add3A_10 = arith.constant 128 : i32
    %add3A_11 = arith.addi %mul3A_9, %add3A_10 : i32
    "tpu.region"() ({
      %run_scoped3A = tpu.sem_alloc : memref<!tpu.dma_semaphore, #tpu.memory_space<semaphore_mem>>
      %dma_start3A_67 = arith.constant 0 : i32
      %dma_start3A_68 = tpu.memref_slice %arg12[%add3A_11, %dma_start3A_67] : memref<10240x64xf32, #tpu.memory_space<vmem_shared>> -> memref<128x64xf32, #tpu.memory_space<vmem_shared>>
      %dma_start3A_69 = arith.constant 0 : i32
      %dma_start3A_70 = tpu.memref_slice %arg12[%add3A_11, %dma_start3A_69] : memref<10240x64xf32, #tpu.memory_space<vmem_shared>> -> memref<128x64xf32, #tpu.memory_space<vmem_shared>>
      tpu.enqueue_dma source(%arg11 : memref<128x64xf32, #tpu.memory_space<vmem>>) target(%dma_start3A_70 : memref<128x64xf32, #tpu.memory_space<vmem_shared>>) target_semaphore(%run_scoped3A : memref<!tpu.dma_semaphore, #tpu.memory_space<semaphore_mem>>)
      %dma_wait3A_71 = arith.constant 0 : i32
      %dma_wait3A_72 = tpu.memref_slice %arg12[%add3A_11, %dma_wait3A_71] : memref<10240x64xf32, #tpu.memory_space<vmem_shared>> -> memref<128x64xf32, #tpu.memory_space<vmem_shared>>
      %dma_wait3A_73 = arith.constant 0 : i32
      %dma_wait3A_74 = tpu.memref_slice %arg12[%add3A_11, %dma_wait3A_73] : memref<10240x64xf32, #tpu.memory_space<vmem_shared>> -> memref<128x64xf32, #tpu.memory_space<vmem_shared>>
      tpu.wait_dma2 semaphore(%run_scoped3A : memref<!tpu.dma_semaphore, #tpu.memory_space<semaphore_mem>>) src(%arg11 : memref<128x64xf32, #tpu.memory_space<vmem>>) dst(%dma_wait3A_74 : memref<128x64xf32, #tpu.memory_space<vmem_shared>>)
      tpu.yield
    }) : () -> ()
    %mul3A_12 = arith.constant 640 : i32
    %mul3A_13 = arith.muli %arg1, %mul3A_12 : i32
    %add3A_14 = arith.constant 256 : i32
    %add3A_15 = arith.addi %mul3A_13, %add3A_14 : i32
    "tpu.region"() ({
      %run_scoped3A = tpu.sem_alloc : memref<!tpu.dma_semaphore, #tpu.memory_space<semaphore_mem>>
      %dma_start3A_67 = arith.constant 0 : i32
      %dma_start3A_68 = tpu.memref_slice %arg12[%add3A_15, %dma_start3A_67] : memref<10240x64xf32, #tpu.memory_space<vmem_shared>> -> memref<128x64xf32, #tpu.memory_space<vmem_shared>>
      %dma_start3A_69 = arith.constant 0 : i32
      %dma_start3A_70 = tpu.memref_slice %arg12[%add3A_15, %dma_start3A_69] : memref<10240x64xf32, #tpu.memory_space<vmem_shared>> -> memref<128x64xf32, #tpu.memory_space<vmem_shared>>
      tpu.enqueue_dma source(%arg11 : memref<128x64xf32, #tpu.memory_space<vmem>>) target(%dma_start3A_70 : memref<128x64xf32, #tpu.memory_space<vmem_shared>>) target_semaphore(%run_scoped3A : memref<!tpu.dma_semaphore, #tpu.memory_space<semaphore_mem>>)
      %dma_wait3A_71 = arith.constant 0 : i32
      %dma_wait3A_72 = tpu.memref_slice %arg12[%add3A_15, %dma_wait3A_71] : memref<10240x64xf32, #tpu.memory_space<vmem_shared>> -> memref<128x64xf32, #tpu.memory_space<vmem_shared>>
      %dma_wait3A_73 = arith.constant 0 : i32
      %dma_wait3A_74 = tpu.memref_slice %arg12[%add3A_15, %dma_wait3A_73] : memref<10240x64xf32, #tpu.memory_space<vmem_shared>> -> memref<128x64xf32, #tpu.memory_space<vmem_shared>>
      tpu.wait_dma2 semaphore(%run_scoped3A : memref<!tpu.dma_semaphore, #tpu.memory_space<semaphore_mem>>) src(%arg11 : memref<128x64xf32, #tpu.memory_space<vmem>>) dst(%dma_wait3A_74 : memref<128x64xf32, #tpu.memory_space<vmem_shared>>)
      tpu.yield
    }) : () -> ()
    %mul3A_16 = arith.constant 640 : i32
    %mul3A_17 = arith.muli %arg1, %mul3A_16 : i32
    %add3A_18 = arith.constant 384 : i32
    %add3A_19 = arith.addi %mul3A_17, %add3A_18 : i32
    "tpu.region"() ({
      %run_scoped3A = tpu.sem_alloc : memref<!tpu.dma_semaphore, #tpu.memory_space<semaphore_mem>>
      %dma_start3A_67 = arith.constant 0 : i32
      %dma_start3A_68 = tpu.memref_slice %arg12[%add3A_19, %dma_start3A_67] : memref<10240x64xf32, #tpu.memory_space<vmem_shared>> -> memref<128x64xf32, #tpu.memory_space<vmem_shared>>
      %dma_start3A_69 = arith.constant 0 : i32
      %dma_start3A_70 = tpu.memref_slice %arg12[%add3A_19, %dma_start3A_69] : memref<10240x64xf32, #tpu.memory_space<vmem_shared>> -> memref<128x64xf32, #tpu.memory_space<vmem_shared>>
      tpu.enqueue_dma source(%arg11 : memref<128x64xf32, #tpu.memory_space<vmem>>) target(%dma_start3A_70 : memref<128x64xf32, #tpu.memory_space<vmem_shared>>) target_semaphore(%run_scoped3A : memref<!tpu.dma_semaphore, #tpu.memory_space<semaphore_mem>>)
      %dma_wait3A_71 = arith.constant 0 : i32
      %dma_wait3A_72 = tpu.memref_slice %arg12[%add3A_19, %dma_wait3A_71] : memref<10240x64xf32, #tpu.memory_space<vmem_shared>> -> memref<128x64xf32, #tpu.memory_space<vmem_shared>>
      %dma_wait3A_73 = arith.constant 0 : i32
      %dma_wait3A_74 = tpu.memref_slice %arg12[%add3A_19, %dma_wait3A_73] : memref<10240x64xf32, #tpu.memory_space<vmem_shared>> -> memref<128x64xf32, #tpu.memory_space<vmem_shared>>
      tpu.wait_dma2 semaphore(%run_scoped3A : memref<!tpu.dma_semaphore, #tpu.memory_space<semaphore_mem>>) src(%arg11 : memref<128x64xf32, #tpu.memory_space<vmem>>) dst(%dma_wait3A_74 : memref<128x64xf32, #tpu.memory_space<vmem_shared>>)
      tpu.yield
    }) : () -> ()
    %mul3A_20 = arith.constant 640 : i32
    %mul3A_21 = arith.muli %arg1, %mul3A_20 : i32
    %add3A_22 = arith.constant 512 : i32
    %add3A_23 = arith.addi %mul3A_21, %add3A_22 : i32
    "tpu.region"() ({
      %run_scoped3A = tpu.sem_alloc : memref<!tpu.dma_semaphore, #tpu.memory_space<semaphore_mem>>
      %dma_start3A_67 = arith.constant 0 : i32
      %dma_start3A_68 = tpu.memref_slice %arg12[%add3A_23, %dma_start3A_67] : memref<10240x64xf32, #tpu.memory_space<vmem_shared>> -> memref<128x64xf32, #tpu.memory_space<vmem_shared>>
      %dma_start3A_69 = arith.constant 0 : i32
      %dma_start3A_70 = tpu.memref_slice %arg12[%add3A_23, %dma_start3A_69] : memref<10240x64xf32, #tpu.memory_space<vmem_shared>> -> memref<128x64xf32, #tpu.memory_space<vmem_shared>>
      tpu.enqueue_dma source(%arg11 : memref<128x64xf32, #tpu.memory_space<vmem>>) target(%dma_start3A_70 : memref<128x64xf32, #tpu.memory_space<vmem_shared>>) target_semaphore(%run_scoped3A : memref<!tpu.dma_semaphore, #tpu.memory_space<semaphore_mem>>)
      %dma_wait3A_71 = arith.constant 0 : i32
      %dma_wait3A_72 = tpu.memref_slice %arg12[%add3A_23, %dma_wait3A_71] : memref<10240x64xf32, #tpu.memory_space<vmem_shared>> -> memref<128x64xf32, #tpu.memory_space<vmem_shared>>
      %dma_wait3A_73 = arith.constant 0 : i32
      %dma_wait3A_74 = tpu.memref_slice %arg12[%add3A_23, %dma_wait3A_73] : memref<10240x64xf32, #tpu.memory_space<vmem_shared>> -> memref<128x64xf32, #tpu.memory_space<vmem_shared>>
      tpu.wait_dma2 semaphore(%run_scoped3A : memref<!tpu.dma_semaphore, #tpu.memory_space<semaphore_mem>>) src(%arg11 : memref<128x64xf32, #tpu.memory_space<vmem>>) dst(%dma_wait3A_74 : memref<128x64xf32, #tpu.memory_space<vmem_shared>>)
      tpu.yield
    }) : () -> ()
    %barrier3A = arith.constant 0 : index
    tpu.barrier barrier_id(%barrier3A)
    %dma_start3A = arith.constant 0 : i32
    %dma_start3A_24 = arith.constant 0 : i32
    %dma_start3A_25 = arith.constant 0 : i32
    %dma_start3A_26 = arith.constant 0 : i32
    %dma_start3A_27 = arith.constant 0 : i32
    %dma_start3A_28 = tpu.memref_slice %arg10[%dma_start3A_24, %dma_start3A_26, %dma_start3A_27] : memref<2x80x64xf32, #tpu.memory_space<vmem>> -> memref<1x80x64xf32, #tpu.memory_space<vmem>>
    %dma_start3A_29 = tpu.memref_squeeze %dma_start3A_28 : memref<1x80x64xf32, #tpu.memory_space<vmem>> -> memref<80x64xf32, #tpu.memory_space<vmem>>
    %dma_start3A_30 = arith.constant 0 : i32
    %dma_start3A_31 = tpu.memref_slice %arg8[%dma_start3A, %dma_start3A_30] : memref<250x80xi32, #tpu.memory_space<vmem>> -> memref<1x80xi32, #tpu.memory_space<vmem>>
    %dma_start3A_32 = tpu.memref_squeeze %dma_start3A_31 : memref<1x80xi32, #tpu.memory_space<vmem>> -> memref<80xi32, #tpu.memory_space<vmem>>
    %dma_start3A_33 = arith.constant 0 : i32
    %dma_start3A_34 = arith.constant 0 : i32
    %dma_start3A_35 = tpu.memref_slice %arg5[%arg0, %dma_start3A_33, %dma_start3A_34] : memref<2x10000x64xf32, #tpu.memory_space<hbm>> -> memref<1x10000x64xf32, #tpu.memory_space<hbm>>
    %dma_start3A_36 = tpu.memref_squeeze %dma_start3A_35 : memref<1x10000x64xf32, #tpu.memory_space<hbm>> -> memref<10000x64xf32, #tpu.memory_space<hbm>>
    %dma_start3A_37 = arith.constant 0 : i32
    %dma_start3A_38 = arith.constant 0 : i32
    %dma_start3A_39 = tpu.memref_slice %dma_start3A_36[%dma_start3A_37, %dma_start3A_38] : memref<10000x64xf32, #tpu.memory_space<hbm>> -> memref<10000x64xf32, #tpu.memory_space<hbm>>
    %dma_start3A_40 = tpu.memref_slice %arg13[%dma_start3A_25] : memref<2x!tpu.dma_semaphore, #tpu.memory_space<semaphore_mem>> -> memref<1x!tpu.dma_semaphore, #tpu.memory_space<semaphore_mem>>
    %dma_start3A_41 = tpu.memref_squeeze %dma_start3A_40 : memref<1x!tpu.dma_semaphore, #tpu.memory_space<semaphore_mem>> -> memref<!tpu.dma_semaphore, #tpu.memory_space<semaphore_mem>>
    tpu.enqueue_indirect_dma source(%dma_start3A_39 : memref<10000x64xf32, #tpu.memory_space<hbm>>) target(%dma_start3A_29 : memref<80x64xf32, #tpu.memory_space<vmem>>) offsets(%dma_start3A_32 : memref<80xi32, #tpu.memory_space<vmem>>) semaphore(%dma_start3A_41 : memref<!tpu.dma_semaphore, #tpu.memory_space<semaphore_mem>>)
    %scan3A_42 = arith.constant 0 : i32
    %scan3A_43 = arith.constant 0 : i32
    %scan3A_44 = arith.constant 250 : i32
    %scan3A_45 = arith.addi %scan3A_43, %scan3A_44 : i32
    %scan3A_46 = arith.constant 1 : i32
    scf.for %scan3A_67 = %scan3A_43 to %scan3A_45 step %scan3A_46  : i32 {
      %rem3A = arith.constant 2 : i32
      %rem3A_68 = arith.remsi %scan3A_67, %rem3A : i32
      %sub3A = arith.constant 1 : i32
      %sub3A_69 = arith.subi %sub3A, %rem3A_68 : i32
      %dma_wait3A_70 = arith.constant 0 : i32
      %dma_wait3A_71 = arith.constant 0 : i32
      %dma_wait3A_72 = tpu.memref_slice %arg10[%rem3A_68, %dma_wait3A_70, %dma_wait3A_71] : memref<2x80x64xf32, #tpu.memory_space<vmem>> -> memref<1x80x64xf32, #tpu.memory_space<vmem>>
      %dma_wait3A_73 = tpu.memref_squeeze %dma_wait3A_72 : memref<1x80x64xf32, #tpu.memory_space<vmem>> -> memref<80x64xf32, #tpu.memory_space<vmem>>
      %dma_wait3A_74 = arith.constant 0 : i32
      %dma_wait3A_75 = tpu.memref_slice %arg8[%scan3A_67, %dma_wait3A_74] : memref<250x80xi32, #tpu.memory_space<vmem>> -> memref<1x80xi32, #tpu.memory_space<vmem>>
      %dma_wait3A_76 = tpu.memref_squeeze %dma_wait3A_75 : memref<1x80xi32, #tpu.memory_space<vmem>> -> memref<80xi32, #tpu.memory_space<vmem>>
      %dma_wait3A_77 = arith.constant 0 : i32
      %dma_wait3A_78 = arith.constant 0 : i32
      %dma_wait3A_79 = tpu.memref_slice %arg5[%arg0, %dma_wait3A_77, %dma_wait3A_78] : memref<2x10000x64xf32, #tpu.memory_space<hbm>> -> memref<1x10000x64xf32, #tpu.memory_space<hbm>>
      %dma_wait3A_80 = tpu.memref_squeeze %dma_wait3A_79 : memref<1x10000x64xf32, #tpu.memory_space<hbm>> -> memref<10000x64xf32, #tpu.memory_space<hbm>>
      %dma_wait3A_81 = arith.constant 0 : i32
      %dma_wait3A_82 = arith.constant 0 : i32
      %dma_wait3A_83 = tpu.memref_slice %dma_wait3A_80[%dma_wait3A_81, %dma_wait3A_82] : memref<10000x64xf32, #tpu.memory_space<hbm>> -> memref<10000x64xf32, #tpu.memory_space<hbm>>
      %dma_wait3A_84 = tpu.memref_slice %arg13[%rem3A_68] : memref<2x!tpu.dma_semaphore, #tpu.memory_space<semaphore_mem>> -> memref<1x!tpu.dma_semaphore, #tpu.memory_space<semaphore_mem>>
      %dma_wait3A_85 = tpu.memref_squeeze %dma_wait3A_84 : memref<1x!tpu.dma_semaphore, #tpu.memory_space<semaphore_mem>> -> memref<!tpu.dma_semaphore, #tpu.memory_space<semaphore_mem>>
      tpu.wait_indirect_dma semaphore(%dma_wait3A_85 : memref<!tpu.dma_semaphore, #tpu.memory_space<semaphore_mem>>) src(%dma_wait3A_83 : memref<10000x64xf32, #tpu.memory_space<hbm>>) dst(%dma_wait3A_73 : memref<80x64xf32, #tpu.memory_space<vmem>>)
      %ge3A = arith.constant 1 : i32
      %ge3A_86 = arith.cmpi sge, %scan3A_67, %ge3A : i32
      %convert_element_type3A = arith.extui %ge3A_86 : i1 to i32
      %cond3A = arith.constant 0 : i32
      %cond3A_87 = arith.cmpi ne, %convert_element_type3A, %cond3A : i32
      scf.if %cond3A_87 {
        %sub3A_112 = arith.constant 1 : i32
        %sub3A_113 = arith.subi %scan3A_67, %sub3A_112 : i32
        %dma_wait3A_114 = arith.constant 0 : i32
        %dma_wait3A_115 = arith.constant 0 : i32
        %dma_wait3A_116 = tpu.memref_slice %arg10[%sub3A_69, %dma_wait3A_114, %dma_wait3A_115] : memref<2x80x64xf32, #tpu.memory_space<vmem>> -> memref<1x80x64xf32, #tpu.memory_space<vmem>>
        %dma_wait3A_117 = tpu.memref_squeeze %dma_wait3A_116 : memref<1x80x64xf32, #tpu.memory_space<vmem>> -> memref<80x64xf32, #tpu.memory_space<vmem>>
        %dma_wait3A_118 = arith.constant 0 : i32
        %dma_wait3A_119 = tpu.memref_slice %arg7[%sub3A_113, %dma_wait3A_118] : memref<250x80xi32, #tpu.memory_space<vmem>> -> memref<1x80xi32, #tpu.memory_space<vmem>>
        %dma_wait3A_120 = tpu.memref_squeeze %dma_wait3A_119 : memref<1x80xi32, #tpu.memory_space<vmem>> -> memref<80xi32, #tpu.memory_space<vmem>>
        %dma_wait3A_121 = arith.constant 0 : i32
        %dma_wait3A_122 = arith.constant 0 : i32
        %dma_wait3A_123 = tpu.memref_slice %arg12[%dma_wait3A_121, %dma_wait3A_122] : memref<10240x64xf32, #tpu.memory_space<vmem_shared>> -> memref<10240x64xf32, #tpu.memory_space<vmem_shared>>
        %dma_wait3A_124 = tpu.memref_slice %arg14[%sub3A_69] : memref<2x!tpu.dma_semaphore, #tpu.memory_space<semaphore_mem>> -> memref<1x!tpu.dma_semaphore, #tpu.memory_space<semaphore_mem>>
        %dma_wait3A_125 = tpu.memref_squeeze %dma_wait3A_124 : memref<1x!tpu.dma_semaphore, #tpu.memory_space<semaphore_mem>> -> memref<!tpu.dma_semaphore, #tpu.memory_space<semaphore_mem>>
        tpu.wait_indirect_dma semaphore(%dma_wait3A_125 : memref<!tpu.dma_semaphore, #tpu.memory_space<semaphore_mem>>) src(%dma_wait3A_117 : memref<80x64xf32, #tpu.memory_space<vmem>>) dst(%dma_wait3A_123 : memref<10240x64xf32, #tpu.memory_space<vmem_shared>>)
      } else {
      }
      %add3A_88 = arith.constant 1 : i32
      %add3A_89 = arith.addi %scan3A_67, %add3A_88 : i32
      %lt3A = arith.constant 250 : i32
      %lt3A_90 = arith.cmpi slt, %add3A_89, %lt3A : i32
      %convert_element_type3A_91 = arith.extui %lt3A_90 : i1 to i32
      %cond3A_92 = arith.constant 0 : i32
      %cond3A_93 = arith.cmpi ne, %convert_element_type3A_91, %cond3A_92 : i32
      scf.if %cond3A_93 {
        %add3A_112 = arith.constant 1 : i32
        %add3A_113 = arith.addi %scan3A_67, %add3A_112 : i32
        %dma_start3A_114 = arith.constant 0 : i32
        %dma_start3A_115 = arith.constant 0 : i32
        %dma_start3A_116 = tpu.memref_slice %arg10[%sub3A_69, %dma_start3A_114, %dma_start3A_115] : memref<2x80x64xf32, #tpu.memory_space<vmem>> -> memref<1x80x64xf32, #tpu.memory_space<vmem>>
        %dma_start3A_117 = tpu.memref_squeeze %dma_start3A_116 : memref<1x80x64xf32, #tpu.memory_space<vmem>> -> memref<80x64xf32, #tpu.memory_space<vmem>>
        %dma_start3A_118 = arith.constant 0 : i32
        %dma_start3A_119 = tpu.memref_slice %arg8[%add3A_113, %dma_start3A_118] : memref<250x80xi32, #tpu.memory_space<vmem>> -> memref<1x80xi32, #tpu.memory_space<vmem>>
        %dma_start3A_120 = tpu.memref_squeeze %dma_start3A_119 : memref<1x80xi32, #tpu.memory_space<vmem>> -> memref<80xi32, #tpu.memory_space<vmem>>
        %dma_start3A_121 = arith.constant 0 : i32
        %dma_start3A_122 = arith.constant 0 : i32
        %dma_start3A_123 = tpu.memref_slice %arg5[%arg0, %dma_start3A_121, %dma_start3A_122] : memref<2x10000x64xf32, #tpu.memory_space<hbm>> -> memref<1x10000x64xf32, #tpu.memory_space<hbm>>
        %dma_start3A_124 = tpu.memref_squeeze %dma_start3A_123 : memref<1x10000x64xf32, #tpu.memory_space<hbm>> -> memref<10000x64xf32, #tpu.memory_space<hbm>>
        %dma_start3A_125 = arith.constant 0 : i32
        %dma_start3A_126 = arith.constant 0 : i32
        %dma_start3A_127 = tpu.memref_slice %dma_start3A_124[%dma_start3A_125, %dma_start3A_126] : memref<10000x64xf32, #tpu.memory_space<hbm>> -> memref<10000x64xf32, #tpu.memory_space<hbm>>
        %dma_start3A_128 = tpu.memref_slice %arg13[%sub3A_69] : memref<2x!tpu.dma_semaphore, #tpu.memory_space<semaphore_mem>> -> memref<1x!tpu.dma_semaphore, #tpu.memory_space<semaphore_mem>>
        %dma_start3A_129 = tpu.memref_squeeze %dma_start3A_128 : memref<1x!tpu.dma_semaphore, #tpu.memory_space<semaphore_mem>> -> memref<!tpu.dma_semaphore, #tpu.memory_space<semaphore_mem>>
        tpu.enqueue_indirect_dma source(%dma_start3A_127 : memref<10000x64xf32, #tpu.memory_space<hbm>>) target(%dma_start3A_117 : memref<80x64xf32, #tpu.memory_space<vmem>>) offsets(%dma_start3A_120 : memref<80xi32, #tpu.memory_space<vmem>>) semaphore(%dma_start3A_129 : memref<!tpu.dma_semaphore, #tpu.memory_space<semaphore_mem>>)
      } else {
      }
      %scan3A_94 = arith.constant 0 : i32
      %scan3A_95 = arith.constant 0 : i32
      %scan3A_96 = arith.constant 5 : i32
      %scan3A_97 = arith.addi %scan3A_95, %scan3A_96 : i32
      %scan3A_98 = arith.constant 1 : i32
      scf.for %scan3A_112 = %scan3A_95 to %scan3A_97 step %scan3A_98  : i32 {
        %mul3A_113 = arith.constant 16 : i32
        %mul3A_114 = arith.muli %scan3A_112, %mul3A_113 : i32
        %get3A = arith.index_cast %scan3A_67 : i32 to index
        %get3A_115 = arith.index_cast %mul3A_114 : i32 to index
        %get3A_116 = tpu.vector_load %arg9[%get3A, %get3A_115] {strides = array<i32>} : memref<250x80xf32, #tpu.memory_space<vmem>>, vector<1x16xf32>,
        %get3A_117 = vector.shape_cast %get3A_116 : vector<1x16xf32> to vector<16xf32>
        %slice3A = vector.extract_strided_slice %get3A_117 {offsets = [0], sizes = [1], strides = [1]} : vector<16xf32> to vector<1xf32>
        %squeeze3A = vector.extract %slice3A[0] : f32 from vector<1xf32>
        %mul3A_118 = arith.constant 16 : i32
        %mul3A_119 = arith.muli %scan3A_112, %mul3A_118 : i32
        %add3A_120 = arith.constant 0 : i32
        %add3A_121 = arith.addi %mul3A_119, %add3A_120 : i32
        %get3A_122 = arith.index_cast %rem3A_68 : i32 to index
        %get3A_123 = arith.index_cast %add3A_121 : i32 to index
        %get3A_124 = arith.constant 0 : index
        %get3A_125 = tpu.vector_load %arg10[%get3A_122, %get3A_123, %get3A_124] {strides = array<i32>} : memref<2x80x64xf32, #tpu.memory_space<vmem>>, vector<1x1x16xf32>,
        %get3A_126 = vector.shape_cast %get3A_125 : vector<1x1x16xf32> to vector<16xf32>
        %mul3A_127 = vector.broadcast %squeeze3A : f32 to vector<16xf32>
        %mul3A_128 = arith.mulf %get3A_126, %mul3A_127 : vector<16xf32>
        %swap3A = arith.index_cast %rem3A_68 : i32 to index
        %swap3A_129 = arith.index_cast %add3A_121 : i32 to index
        %swap3A_130 = arith.constant 0 : index
        %swap3A_131 = tpu.vector_load %arg10[%swap3A, %swap3A_129, %swap3A_130] {strides = array<i32>} : memref<2x80x64xf32, #tpu.memory_space<vmem>>, vector<1x1x16xf32>,
        %swap3A_132 = vector.shape_cast %swap3A_131 : vector<1x1x16xf32> to vector<16xf32>
        %swap3A_133 = vector.shape_cast %mul3A_128 : vector<16xf32> to vector<1x1x16xf32>
        tpu.vector_store %arg10[%swap3A, %swap3A_129, %swap3A_130], %swap3A_133 {strides = array<i32>} : memref<2x80x64xf32, #tpu.memory_space<vmem>>, vector<1x1x16xf32>,
        %get3A_134 = arith.index_cast %rem3A_68 : i32 to index
        %get3A_135 = arith.index_cast %add3A_121 : i32 to index
        %get3A_136 = arith.constant 16 : index
        %get3A_137 = tpu.vector_load %arg10[%get3A_134, %get3A_135, %get3A_136] {strides = array<i32>} : memref<2x80x64xf32, #tpu.memory_space<vmem>>, vector<1x1x16xf32>,
        %get3A_138 = vector.shape_cast %get3A_137 : vector<1x1x16xf32> to vector<16xf32>
        %mul3A_139 = vector.broadcast %squeeze3A : f32 to vector<16xf32>
        %mul3A_140 = arith.mulf %get3A_138, %mul3A_139 : vector<16xf32>
        %swap3A_141 = arith.index_cast %rem3A_68 : i32 to index
        %swap3A_142 = arith.index_cast %add3A_121 : i32 to index
        %swap3A_143 = arith.constant 16 : index
        %swap3A_144 = tpu.vector_load %arg10[%swap3A_141, %swap3A_142, %swap3A_143] {strides = array<i32>} : memref<2x80x64xf32, #tpu.memory_space<vmem>>, vector<1x1x16xf32>,
        %swap3A_145 = vector.shape_cast %swap3A_144 : vector<1x1x16xf32> to vector<16xf32>
        %swap3A_146 = vector.shape_cast %mul3A_140 : vector<16xf32> to vector<1x1x16xf32>
        tpu.vector_store %arg10[%swap3A_141, %swap3A_142, %swap3A_143], %swap3A_146 {strides = array<i32>} : memref<2x80x64xf32, #tpu.memory_space<vmem>>, vector<1x1x16xf32>,
        %get3A_147 = arith.index_cast %rem3A_68 : i32 to index
        %get3A_148 = arith.index_cast %add3A_121 : i32 to index
        %get3A_149 = arith.constant 32 : index
        %get3A_150 = tpu.vector_load %arg10[%get3A_147, %get3A_148, %get3A_149] {strides = array<i32>} : memref<2x80x64xf32, #tpu.memory_space<vmem>>, vector<1x1x16xf32>,
        %get3A_151 = vector.shape_cast %get3A_150 : vector<1x1x16xf32> to vector<16xf32>
        %mul3A_152 = vector.broadcast %squeeze3A : f32 to vector<16xf32>
        %mul3A_153 = arith.mulf %get3A_151, %mul3A_152 : vector<16xf32>
        %swap3A_154 = arith.index_cast %rem3A_68 : i32 to index
        %swap3A_155 = arith.index_cast %add3A_121 : i32 to index
        %swap3A_156 = arith.constant 32 : index
        %swap3A_157 = tpu.vector_load %arg10[%swap3A_154, %swap3A_155, %swap3A_156] {strides = array<i32>} : memref<2x80x64xf32, #tpu.memory_space<vmem>>, vector<1x1x16xf32>,
        %swap3A_158 = vector.shape_cast %swap3A_157 : vector<1x1x16xf32> to vector<16xf32>
        %swap3A_159 = vector.shape_cast %mul3A_153 : vector<16xf32> to vector<1x1x16xf32>
        tpu.vector_store %arg10[%swap3A_154, %swap3A_155, %swap3A_156], %swap3A_159 {strides = array<i32>} : memref<2x80x64xf32, #tpu.memory_space<vmem>>, vector<1x1x16xf32>,
        %get3A_160 = arith.index_cast %rem3A_68 : i32 to index
        %get3A_161 = arith.index_cast %add3A_121 : i32 to index
        %get3A_162 = arith.constant 48 : index
        %get3A_163 = tpu.vector_load %arg10[%get3A_160, %get3A_161, %get3A_162] {strides = array<i32>} : memref<2x80x64xf32, #tpu.memory_space<vmem>>, vector<1x1x16xf32>,
        %get3A_164 = vector.shape_cast %get3A_163 : vector<1x1x16xf32> to vector<16xf32>
        %mul3A_165 = vector.broadcast %squeeze3A : f32 to vector<16xf32>
        %mul3A_166 = arith.mulf %get3A_164, %mul3A_165 : vector<16xf32>
        %swap3A_167 = arith.index_cast %rem3A_68 : i32 to index
        %swap3A_168 = arith.index_cast %add3A_121 : i32 to index
        %swap3A_169 = arith.constant 48 : index
        %swap3A_170 = tpu.vector_load %arg10[%swap3A_167, %swap3A_168, %swap3A_169] {strides = array<i32>} : memref<2x80x64xf32, #tpu.memory_space<vmem>>, vector<1x1x16xf32>,
        %swap3A_171 = vector.shape_cast %swap3A_170 : vector<1x1x16xf32> to vector<16xf32>
        %swap3A_172 = vector.shape_cast %mul3A_166 : vector<16xf32> to vector<1x1x16xf32>
        tpu.vector_store %arg10[%swap3A_167, %swap3A_168, %swap3A_169], %swap3A_172 {strides = array<i32>} : memref<2x80x64xf32, #tpu.memory_space<vmem>>, vector<1x1x16xf32>,
        %slice3A_173 = vector.extract_strided_slice %get3A_117 {offsets = [1], sizes = [1], strides = [1]} : vector<16xf32> to vector<1xf32>
        %squeeze3A_174 = vector.extract %slice3A_173[0] : f32 from vector<1xf32>
        %mul3A_175 = arith.constant 16 : i32
        %mul3A_176 = arith.muli %scan3A_112, %mul3A_175 : i32
        %add3A_177 = arith.constant 1 : i32
        %add3A_178 = arith.addi %mul3A_176, %add3A_177 : i32
        %get3A_179 = arith.index_cast %rem3A_68 : i32 to index
        %get3A_180 = arith.index_cast %add3A_178 : i32 to index
        %get3A_181 = arith.constant 0 : index
        %get3A_182 = tpu.vector_load %arg10[%get3A_179, %get3A_180, %get3A_181] {strides = array<i32>} : memref<2x80x64xf32, #tpu.memory_space<vmem>>, vector<1x1x16xf32>,
        %get3A_183 = vector.shape_cast %get3A_182 : vector<1x1x16xf32> to vector<16xf32>
        %mul3A_184 = vector.broadcast %squeeze3A_174 : f32 to vector<16xf32>
        %mul3A_185 = arith.mulf %get3A_183, %mul3A_184 : vector<16xf32>
        %swap3A_186 = arith.index_cast %rem3A_68 : i32 to index
        %swap3A_187 = arith.index_cast %add3A_178 : i32 to index
        %swap3A_188 = arith.constant 0 : index
        %swap3A_189 = tpu.vector_load %arg10[%swap3A_186, %swap3A_187, %swap3A_188] {strides = array<i32>} : memref<2x80x64xf32, #tpu.memory_space<vmem>>, vector<1x1x16xf32>,
        %swap3A_190 = vector.shape_cast %swap3A_189 : vector<1x1x16xf32> to vector<16xf32>
        %swap3A_191 = vector.shape_cast %mul3A_185 : vector<16xf32> to vector<1x1x16xf32>
        tpu.vector_store %arg10[%swap3A_186, %swap3A_187, %swap3A_188], %swap3A_191 {strides = array<i32>} : memref<2x80x64xf32, #tpu.memory_space<vmem>>, vector<1x1x16xf32>,
        %get3A_192 = arith.index_cast %rem3A_68 : i32 to index
        %get3A_193 = arith.index_cast %add3A_178 : i32 to index
        %get3A_194 = arith.constant 16 : index
        %get3A_195 = tpu.vector_load %arg10[%get3A_192, %get3A_193, %get3A_194] {strides = array<i32>} : memref<2x80x64xf32, #tpu.memory_space<vmem>>, vector<1x1x16xf32>,
        %get3A_196 = vector.shape_cast %get3A_195 : vector<1x1x16xf32> to vector<16xf32>
        %mul3A_197 = vector.broadcast %squeeze3A_174 : f32 to vector<16xf32>
        %mul3A_198 = arith.mulf %get3A_196, %mul3A_197 : vector<16xf32>
        %swap3A_199 = arith.index_cast %rem3A_68 : i32 to index
        %swap3A_200 = arith.index_cast %add3A_178 : i32 to index
        %swap3A_201 = arith.constant 16 : index
        %swap3A_202 = tpu.vector_load %arg10[%swap3A_199, %swap3A_200, %swap3A_201] {strides = array<i32>} : memref<2x80x64xf32, #tpu.memory_space<vmem>>, vector<1x1x16xf32>,
        %swap3A_203 = vector.shape_cast %swap3A_202 : vector<1x1x16xf32> to vector<16xf32>
        %swap3A_204 = vector.shape_cast %mul3A_198 : vector<16xf32> to vector<1x1x16xf32>
        tpu.vector_store %arg10[%swap3A_199, %swap3A_200, %swap3A_201], %swap3A_204 {strides = array<i32>} : memref<2x80x64xf32, #tpu.memory_space<vmem>>, vector<1x1x16xf32>,
        %get3A_205 = arith.index_cast %rem3A_68 : i32 to index
        %get3A_206 = arith.index_cast %add3A_178 : i32 to index
        %get3A_207 = arith.constant 32 : index
        %get3A_208 = tpu.vector_load %arg10[%get3A_205, %get3A_206, %get3A_207] {strides = array<i32>} : memref<2x80x64xf32, #tpu.memory_space<vmem>>, vector<1x1x16xf32>,
        %get3A_209 = vector.shape_cast %get3A_208 : vector<1x1x16xf32> to vector<16xf32>
        %mul3A_210 = vector.broadcast %squeeze3A_174 : f32 to vector<16xf32>
        %mul3A_211 = arith.mulf %get3A_209, %mul3A_210 : vector<16xf32>
        %swap3A_212 = arith.index_cast %rem3A_68 : i32 to index
        %swap3A_213 = arith.index_cast %add3A_178 : i32 to index
        %swap3A_214 = arith.constant 32 : index
        %swap3A_215 = tpu.vector_load %arg10[%swap3A_212, %swap3A_213, %swap3A_214] {strides = array<i32>} : memref<2x80x64xf32, #tpu.memory_space<vmem>>, vector<1x1x16xf32>,
        %swap3A_216 = vector.shape_cast %swap3A_215 : vector<1x1x16xf32> to vector<16xf32>
        %swap3A_217 = vector.shape_cast %mul3A_211 : vector<16xf32> to vector<1x1x16xf32>
        tpu.vector_store %arg10[%swap3A_212, %swap3A_213, %swap3A_214], %swap3A_217 {strides = array<i32>} : memref<2x80x64xf32, #tpu.memory_space<vmem>>, vector<1x1x16xf32>,
        %get3A_218 = arith.index_cast %rem3A_68 : i32 to index
        %get3A_219 = arith.index_cast %add3A_178 : i32 to index
        %get3A_220 = arith.constant 48 : index
        %get3A_221 = tpu.vector_load %arg10[%get3A_218, %get3A_219, %get3A_220] {strides = array<i32>} : memref<2x80x64xf32, #tpu.memory_space<vmem>>, vector<1x1x16xf32>,
        %get3A_222 = vector.shape_cast %get3A_221 : vector<1x1x16xf32> to vector<16xf32>
        %mul3A_223 = vector.broadcast %squeeze3A_174 : f32 to vector<16xf32>
        %mul3A_224 = arith.mulf %get3A_222, %mul3A_223 : vector<16xf32>
        %swap3A_225 = arith.index_cast %rem3A_68 : i32 to index
        %swap3A_226 = arith.index_cast %add3A_178 : i32 to index
        %swap3A_227 = arith.constant 48 : index
        %swap3A_228 = tpu.vector_load %arg10[%swap3A_225, %swap3A_226, %swap3A_227] {strides = array<i32>} : memref<2x80x64xf32, #tpu.memory_space<vmem>>, vector<1x1x16xf32>,
        %swap3A_229 = vector.shape_cast %swap3A_228 : vector<1x1x16xf32> to vector<16xf32>
        %swap3A_230 = vector.shape_cast %mul3A_224 : vector<16xf32> to vector<1x1x16xf32>
        tpu.vector_store %arg10[%swap3A_225, %swap3A_226, %swap3A_227], %swap3A_230 {strides = array<i32>} : memref<2x80x64xf32, #tpu.memory_space<vmem>>, vector<1x1x16xf32>,
        %slice3A_231 = vector.extract_strided_slice %get3A_117 {offsets = [2], sizes = [1], strides = [1]} : vector<16xf32> to vector<1xf32>
        %squeeze3A_232 = vector.extract %slice3A_231[0] : f32 from vector<1xf32>
        %mul3A_233 = arith.constant 16 : i32
        %mul3A_234 = arith.muli %scan3A_112, %mul3A_233 : i32
        %add3A_235 = arith.constant 2 : i32
        %add3A_236 = arith.addi %mul3A_234, %add3A_235 : i32
        %get3A_237 = arith.index_cast %rem3A_68 : i32 to index
        %get3A_238 = arith.index_cast %add3A_236 : i32 to index
        %get3A_239 = arith.constant 0 : index
        %get3A_240 = tpu.vector_load %arg10[%get3A_237, %get3A_238, %get3A_239] {strides = array<i32>} : memref<2x80x64xf32, #tpu.memory_space<vmem>>, vector<1x1x16xf32>,
        %get3A_241 = vector.shape_cast %get3A_240 : vector<1x1x16xf32> to vector<16xf32>
        %mul3A_242 = vector.broadcast %squeeze3A_232 : f32 to vector<16xf32>
        %mul3A_243 = arith.mulf %get3A_241, %mul3A_242 : vector<16xf32>
        %swap3A_244 = arith.index_cast %rem3A_68 : i32 to index
        %swap3A_245 = arith.index_cast %add3A_236 : i32 to index
        %swap3A_246 = arith.constant 0 : index
        %swap3A_247 = tpu.vector_load %arg10[%swap3A_244, %swap3A_245, %swap3A_246] {strides = array<i32>} : memref<2x80x64xf32, #tpu.memory_space<vmem>>, vector<1x1x16xf32>,
        %swap3A_248 = vector.shape_cast %swap3A_247 : vector<1x1x16xf32> to vector<16xf32>
        %swap3A_249 = vector.shape_cast %mul3A_243 : vector<16xf32> to vector<1x1x16xf32>
        tpu.vector_store %arg10[%swap3A_244, %swap3A_245, %swap3A_246], %swap3A_249 {strides = array<i32>} : memref<2x80x64xf32, #tpu.memory_space<vmem>>, vector<1x1x16xf32>,
        %get3A_250 = arith.index_cast %rem3A_68 : i32 to index
        %get3A_251 = arith.index_cast %add3A_236 : i32 to index
        %get3A_252 = arith.constant 16 : index
        %get3A_253 = tpu.vector_load %arg10[%get3A_250, %get3A_251, %get3A_252] {strides = array<i32>} : memref<2x80x64xf32, #tpu.memory_space<vmem>>, vector<1x1x16xf32>,
        %get3A_254 = vector.shape_cast %get3A_253 : vector<1x1x16xf32> to vector<16xf32>
        %mul3A_255 = vector.broadcast %squeeze3A_232 : f32 to vector<16xf32>
        %mul3A_256 = arith.mulf %get3A_254, %mul3A_255 : vector<16xf32>
        %swap3A_257 = arith.index_cast %rem3A_68 : i32 to index
        %swap3A_258 = arith.index_cast %add3A_236 : i32 to index
        %swap3A_259 = arith.constant 16 : index
        %swap3A_260 = tpu.vector_load %arg10[%swap3A_257, %swap3A_258, %swap3A_259] {strides = array<i32>} : memref<2x80x64xf32, #tpu.memory_space<vmem>>, vector<1x1x16xf32>,
        %swap3A_261 = vector.shape_cast %swap3A_260 : vector<1x1x16xf32> to vector<16xf32>
        %swap3A_262 = vector.shape_cast %mul3A_256 : vector<16xf32> to vector<1x1x16xf32>
        tpu.vector_store %arg10[%swap3A_257, %swap3A_258, %swap3A_259], %swap3A_262 {strides = array<i32>} : memref<2x80x64xf32, #tpu.memory_space<vmem>>, vector<1x1x16xf32>,
        %get3A_263 = arith.index_cast %rem3A_68 : i32 to index
        %get3A_264 = arith.index_cast %add3A_236 : i32 to index
        %get3A_265 = arith.constant 32 : index
        %get3A_266 = tpu.vector_load %arg10[%get3A_263, %get3A_264, %get3A_265] {strides = array<i32>} : memref<2x80x64xf32, #tpu.memory_space<vmem>>, vector<1x1x16xf32>,
        %get3A_267 = vector.shape_cast %get3A_266 : vector<1x1x16xf32> to vector<16xf32>
        %mul3A_268 = vector.broadcast %squeeze3A_232 : f32 to vector<16xf32>
        %mul3A_269 = arith.mulf %get3A_267, %mul3A_268 : vector<16xf32>
        %swap3A_270 = arith.index_cast %rem3A_68 : i32 to index
        %swap3A_271 = arith.index_cast %add3A_236 : i32 to index
        %swap3A_272 = arith.constant 32 : index
        %swap3A_273 = tpu.vector_load %arg10[%swap3A_270, %swap3A_271, %swap3A_272] {strides = array<i32>} : memref<2x80x64xf32, #tpu.memory_space<vmem>>, vector<1x1x16xf32>,
        %swap3A_274 = vector.shape_cast %swap3A_273 : vector<1x1x16xf32> to vector<16xf32>
        %swap3A_275 = vector.shape_cast %mul3A_269 : vector<16xf32> to vector<1x1x16xf32>
        tpu.vector_store %arg10[%swap3A_270, %swap3A_271, %swap3A_272], %swap3A_275 {strides = array<i32>} : memref<2x80x64xf32, #tpu.memory_space<vmem>>, vector<1x1x16xf32>,
        %get3A_276 = arith.index_cast %rem3A_68 : i32 to index
        %get3A_277 = arith.index_cast %add3A_236 : i32 to index
        %get3A_278 = arith.constant 48 : index
        %get3A_279 = tpu.vector_load %arg10[%get3A_276, %get3A_277, %get3A_278] {strides = array<i32>} : memref<2x80x64xf32, #tpu.memory_space<vmem>>, vector<1x1x16xf32>,
        %get3A_280 = vector.shape_cast %get3A_279 : vector<1x1x16xf32> to vector<16xf32>
        %mul3A_281 = vector.broadcast %squeeze3A_232 : f32 to vector<16xf32>
        %mul3A_282 = arith.mulf %get3A_280, %mul3A_281 : vector<16xf32>
        %swap3A_283 = arith.index_cast %rem3A_68 : i32 to index
        %swap3A_284 = arith.index_cast %add3A_236 : i32 to index
        %swap3A_285 = arith.constant 48 : index
        %swap3A_286 = tpu.vector_load %arg10[%swap3A_283, %swap3A_284, %swap3A_285] {strides = array<i32>} : memref<2x80x64xf32, #tpu.memory_space<vmem>>, vector<1x1x16xf32>,
        %swap3A_287 = vector.shape_cast %swap3A_286 : vector<1x1x16xf32> to vector<16xf32>
        %swap3A_288 = vector.shape_cast %mul3A_282 : vector<16xf32> to vector<1x1x16xf32>
        tpu.vector_store %arg10[%swap3A_283, %swap3A_284, %swap3A_285], %swap3A_288 {strides = array<i32>} : memref<2x80x64xf32, #tpu.memory_space<vmem>>, vector<1x1x16xf32>,
        %slice3A_289 = vector.extract_strided_slice %get3A_117 {offsets = [3], sizes = [1], strides = [1]} : vector<16xf32> to vector<1xf32>
        %squeeze3A_290 = vector.extract %slice3A_289[0] : f32 from vector<1xf32>
        %mul3A_291 = arith.constant 16 : i32
        %mul3A_292 = arith.muli %scan3A_112, %mul3A_291 : i32
        %add3A_293 = arith.constant 3 : i32
        %add3A_294 = arith.addi %mul3A_292, %add3A_293 : i32
        %get3A_295 = arith.index_cast %rem3A_68 : i32 to index
        %get3A_296 = arith.index_cast %add3A_294 : i32 to index
        %get3A_297 = arith.constant 0 : index
        %get3A_298 = tpu.vector_load %arg10[%get3A_295, %get3A_296, %get3A_297] {strides = array<i32>} : memref<2x80x64xf32, #tpu.memory_space<vmem>>, vector<1x1x16xf32>,
        %get3A_299 = vector.shape_cast %get3A_298 : vector<1x1x16xf32> to vector<16xf32>
        %mul3A_300 = vector.broadcast %squeeze3A_290 : f32 to vector<16xf32>
        %mul3A_301 = arith.mulf %get3A_299, %mul3A_300 : vector<16xf32>
        %swap3A_302 = arith.index_cast %rem3A_68 : i32 to index
        %swap3A_303 = arith.index_cast %add3A_294 : i32 to index
        %swap3A_304 = arith.constant 0 : index
        %swap3A_305 = tpu.vector_load %arg10[%swap3A_302, %swap3A_303, %swap3A_304] {strides = array<i32>} : memref<2x80x64xf32, #tpu.memory_space<vmem>>, vector<1x1x16xf32>,
        %swap3A_306 = vector.shape_cast %swap3A_305 : vector<1x1x16xf32> to vector<16xf32>
        %swap3A_307 = vector.shape_cast %mul3A_301 : vector<16xf32> to vector<1x1x16xf32>
        tpu.vector_store %arg10[%swap3A_302, %swap3A_303, %swap3A_304], %swap3A_307 {strides = array<i32>} : memref<2x80x64xf32, #tpu.memory_space<vmem>>, vector<1x1x16xf32>,
        %get3A_308 = arith.index_cast %rem3A_68 : i32 to index
        %get3A_309 = arith.index_cast %add3A_294 : i32 to index
        %get3A_310 = arith.constant 16 : index
        %get3A_311 = tpu.vector_load %arg10[%get3A_308, %get3A_309, %get3A_310] {strides = array<i32>} : memref<2x80x64xf32, #tpu.memory_space<vmem>>, vector<1x1x16xf32>,
        %get3A_312 = vector.shape_cast %get3A_311 : vector<1x1x16xf32> to vector<16xf32>
        %mul3A_313 = vector.broadcast %squeeze3A_290 : f32 to vector<16xf32>
        %mul3A_314 = arith.mulf %get3A_312, %mul3A_313 : vector<16xf32>
        %swap3A_315 = arith.index_cast %rem3A_68 : i32 to index
        %swap3A_316 = arith.index_cast %add3A_294 : i32 to index
        %swap3A_317 = arith.constant 16 : index
        %swap3A_318 = tpu.vector_load %arg10[%swap3A_315, %swap3A_316, %swap3A_317] {strides = array<i32>} : memref<2x80x64xf32, #tpu.memory_space<vmem>>, vector<1x1x16xf32>,
        %swap3A_319 = vector.shape_cast %swap3A_318 : vector<1x1x16xf32> to vector<16xf32>
        %swap3A_320 = vector.shape_cast %mul3A_314 : vector<16xf32> to vector<1x1x16xf32>
        tpu.vector_store %arg10[%swap3A_315, %swap3A_316, %swap3A_317], %swap3A_320 {strides = array<i32>} : memref<2x80x64xf32, #tpu.memory_space<vmem>>, vector<1x1x16xf32>,
        %get3A_321 = arith.index_cast %rem3A_68 : i32 to index
        %get3A_322 = arith.index_cast %add3A_294 : i32 to index
        %get3A_323 = arith.constant 32 : index
        %get3A_324 = tpu.vector_load %arg10[%get3A_321, %get3A_322, %get3A_323] {strides = array<i32>} : memref<2x80x64xf32, #tpu.memory_space<vmem>>, vector<1x1x16xf32>,
        %get3A_325 = vector.shape_cast %get3A_324 : vector<1x1x16xf32> to vector<16xf32>
        %mul3A_326 = vector.broadcast %squeeze3A_290 : f32 to vector<16xf32>
        %mul3A_327 = arith.mulf %get3A_325, %mul3A_326 : vector<16xf32>
        %swap3A_328 = arith.index_cast %rem3A_68 : i32 to index
        %swap3A_329 = arith.index_cast %add3A_294 : i32 to index
        %swap3A_330 = arith.constant 32 : index
        %swap3A_331 = tpu.vector_load %arg10[%swap3A_328, %swap3A_329, %swap3A_330] {strides = array<i32>} : memref<2x80x64xf32, #tpu.memory_space<vmem>>, vector<1x1x16xf32>,
        %swap3A_332 = vector.shape_cast %swap3A_331 : vector<1x1x16xf32> to vector<16xf32>
        %swap3A_333 = vector.shape_cast %mul3A_327 : vector<16xf32> to vector<1x1x16xf32>
        tpu.vector_store %arg10[%swap3A_328, %swap3A_329, %swap3A_330], %swap3A_333 {strides = array<i32>} : memref<2x80x64xf32, #tpu.memory_space<vmem>>, vector<1x1x16xf32>,
        %get3A_334 = arith.index_cast %rem3A_68 : i32 to index
        %get3A_335 = arith.index_cast %add3A_294 : i32 to index
        %get3A_336 = arith.constant 48 : index
        %get3A_337 = tpu.vector_load %arg10[%get3A_334, %get3A_335, %get3A_336] {strides = array<i32>} : memref<2x80x64xf32, #tpu.memory_space<vmem>>, vector<1x1x16xf32>,
        %get3A_338 = vector.shape_cast %get3A_337 : vector<1x1x16xf32> to vector<16xf32>
        %mul3A_339 = vector.broadcast %squeeze3A_290 : f32 to vector<16xf32>
        %mul3A_340 = arith.mulf %get3A_338, %mul3A_339 : vector<16xf32>
        %swap3A_341 = arith.index_cast %rem3A_68 : i32 to index
        %swap3A_342 = arith.index_cast %add3A_294 : i32 to index
        %swap3A_343 = arith.constant 48 : index
        %swap3A_344 = tpu.vector_load %arg10[%swap3A_341, %swap3A_342, %swap3A_343] {strides = array<i32>} : memref<2x80x64xf32, #tpu.memory_space<vmem>>, vector<1x1x16xf32>,
        %swap3A_345 = vector.shape_cast %swap3A_344 : vector<1x1x16xf32> to vector<16xf32>
        %swap3A_346 = vector.shape_cast %mul3A_340 : vector<16xf32> to vector<1x1x16xf32>
        tpu.vector_store %arg10[%swap3A_341, %swap3A_342, %swap3A_343], %swap3A_346 {strides = array<i32>} : memref<2x80x64xf32, #tpu.memory_space<vmem>>, vector<1x1x16xf32>,
        %slice3A_347 = vector.extract_strided_slice %get3A_117 {offsets = [4], sizes = [1], strides = [1]} : vector<16xf32> to vector<1xf32>
        %squeeze3A_348 = vector.extract %slice3A_347[0] : f32 from vector<1xf32>
        %mul3A_349 = arith.constant 16 : i32
        %mul3A_350 = arith.muli %scan3A_112, %mul3A_349 : i32
        %add3A_351 = arith.constant 4 : i32
        %add3A_352 = arith.addi %mul3A_350, %add3A_351 : i32
        %get3A_353 = arith.index_cast %rem3A_68 : i32 to index
        %get3A_354 = arith.index_cast %add3A_352 : i32 to index
        %get3A_355 = arith.constant 0 : index
        %get3A_356 = tpu.vector_load %arg10[%get3A_353, %get3A_354, %get3A_355] {strides = array<i32>} : memref<2x80x64xf32, #tpu.memory_space<vmem>>, vector<1x1x16xf32>,
        %get3A_357 = vector.shape_cast %get3A_356 : vector<1x1x16xf32> to vector<16xf32>
        %mul3A_358 = vector.broadcast %squeeze3A_348 : f32 to vector<16xf32>
        %mul3A_359 = arith.mulf %get3A_357, %mul3A_358 : vector<16xf32>
        %swap3A_360 = arith.index_cast %rem3A_68 : i32 to index
        %swap3A_361 = arith.index_cast %add3A_352 : i32 to index
        %swap3A_362 = arith.constant 0 : index
        %swap3A_363 = tpu.vector_load %arg10[%swap3A_360, %swap3A_361, %swap3A_362] {strides = array<i32>} : memref<2x80x64xf32, #tpu.memory_space<vmem>>, vector<1x1x16xf32>,
        %swap3A_364 = vector.shape_cast %swap3A_363 : vector<1x1x16xf32> to vector<16xf32>
        %swap3A_365 = vector.shape_cast %mul3A_359 : vector<16xf32> to vector<1x1x16xf32>
        tpu.vector_store %arg10[%swap3A_360, %swap3A_361, %swap3A_362], %swap3A_365 {strides = array<i32>} : memref<2x80x64xf32, #tpu.memory_space<vmem>>, vector<1x1x16xf32>,
        %get3A_366 = arith.index_cast %rem3A_68 : i32 to index
        %get3A_367 = arith.index_cast %add3A_352 : i32 to index
        %get3A_368 = arith.constant 16 : index
        %get3A_369 = tpu.vector_load %arg10[%get3A_366, %get3A_367, %get3A_368] {strides = array<i32>} : memref<2x80x64xf32, #tpu.memory_space<vmem>>, vector<1x1x16xf32>,
        %get3A_370 = vector.shape_cast %get3A_369 : vector<1x1x16xf32> to vector<16xf32>
        %mul3A_371 = vector.broadcast %squeeze3A_348 : f32 to vector<16xf32>
        %mul3A_372 = arith.mulf %get3A_370, %mul3A_371 : vector<16xf32>
        %swap3A_373 = arith.index_cast %rem3A_68 : i32 to index
        %swap3A_374 = arith.index_cast %add3A_352 : i32 to index
        %swap3A_375 = arith.constant 16 : index
        %swap3A_376 = tpu.vector_load %arg10[%swap3A_373, %swap3A_374, %swap3A_375] {strides = array<i32>} : memref<2x80x64xf32, #tpu.memory_space<vmem>>, vector<1x1x16xf32>,
        %swap3A_377 = vector.shape_cast %swap3A_376 : vector<1x1x16xf32> to vector<16xf32>
        %swap3A_378 = vector.shape_cast %mul3A_372 : vector<16xf32> to vector<1x1x16xf32>
        tpu.vector_store %arg10[%swap3A_373, %swap3A_374, %swap3A_375], %swap3A_378 {strides = array<i32>} : memref<2x80x64xf32, #tpu.memory_space<vmem>>, vector<1x1x16xf32>,
        %get3A_379 = arith.index_cast %rem3A_68 : i32 to index
        %get3A_380 = arith.index_cast %add3A_352 : i32 to index
        %get3A_381 = arith.constant 32 : index
        %get3A_382 = tpu.vector_load %arg10[%get3A_379, %get3A_380, %get3A_381] {strides = array<i32>} : memref<2x80x64xf32, #tpu.memory_space<vmem>>, vector<1x1x16xf32>,
        %get3A_383 = vector.shape_cast %get3A_382 : vector<1x1x16xf32> to vector<16xf32>
        %mul3A_384 = vector.broadcast %squeeze3A_348 : f32 to vector<16xf32>
        %mul3A_385 = arith.mulf %get3A_383, %mul3A_384 : vector<16xf32>
        %swap3A_386 = arith.index_cast %rem3A_68 : i32 to index
        %swap3A_387 = arith.index_cast %add3A_352 : i32 to index
        %swap3A_388 = arith.constant 32 : index
        %swap3A_389 = tpu.vector_load %arg10[%swap3A_386, %swap3A_387, %swap3A_388] {strides = array<i32>} : memref<2x80x64xf32, #tpu.memory_space<vmem>>, vector<1x1x16xf32>,
        %swap3A_390 = vector.shape_cast %swap3A_389 : vector<1x1x16xf32> to vector<16xf32>
        %swap3A_391 = vector.shape_cast %mul3A_385 : vector<16xf32> to vector<1x1x16xf32>
        tpu.vector_store %arg10[%swap3A_386, %swap3A_387, %swap3A_388], %swap3A_391 {strides = array<i32>} : memref<2x80x64xf32, #tpu.memory_space<vmem>>, vector<1x1x16xf32>,
        %get3A_392 = arith.index_cast %rem3A_68 : i32 to index
        %get3A_393 = arith.index_cast %add3A_352 : i32 to index
        %get3A_394 = arith.constant 48 : index
        %get3A_395 = tpu.vector_load %arg10[%get3A_392, %get3A_393, %get3A_394] {strides = array<i32>} : memref<2x80x64xf32, #tpu.memory_space<vmem>>, vector<1x1x16xf32>,
        %get3A_396 = vector.shape_cast %get3A_395 : vector<1x1x16xf32> to vector<16xf32>
        %mul3A_397 = vector.broadcast %squeeze3A_348 : f32 to vector<16xf32>
        %mul3A_398 = arith.mulf %get3A_396, %mul3A_397 : vector<16xf32>
        %swap3A_399 = arith.index_cast %rem3A_68 : i32 to index
        %swap3A_400 = arith.index_cast %add3A_352 : i32 to index
        %swap3A_401 = arith.constant 48 : index
        %swap3A_402 = tpu.vector_load %arg10[%swap3A_399, %swap3A_400, %swap3A_401] {strides = array<i32>} : memref<2x80x64xf32, #tpu.memory_space<vmem>>, vector<1x1x16xf32>,
        %swap3A_403 = vector.shape_cast %swap3A_402 : vector<1x1x16xf32> to vector<16xf32>
        %swap3A_404 = vector.shape_cast %mul3A_398 : vector<16xf32> to vector<1x1x16xf32>
        tpu.vector_store %arg10[%swap3A_399, %swap3A_400, %swap3A_401], %swap3A_404 {strides = array<i32>} : memref<2x80x64xf32, #tpu.memory_space<vmem>>, vector<1x1x16xf32>,
        %slice3A_405 = vector.extract_strided_slice %get3A_117 {offsets = [5], sizes = [1], strides = [1]} : vector<16xf32> to vector<1xf32>
        %squeeze3A_406 = vector.extract %slice3A_405[0] : f32 from vector<1xf32>
        %mul3A_407 = arith.constant 16 : i32
        %mul3A_408 = arith.muli %scan3A_112, %mul3A_407 : i32
        %add3A_409 = arith.constant 5 : i32
        %add3A_410 = arith.addi %mul3A_408, %add3A_409 : i32
        %get3A_411 = arith.index_cast %rem3A_68 : i32 to index
        %get3A_412 = arith.index_cast %add3A_410 : i32 to index
        %get3A_413 = arith.constant 0 : index
        %get3A_414 = tpu.vector_load %arg10[%get3A_411, %get3A_412, %get3A_413] {strides = array<i32>} : memref<2x80x64xf32, #tpu.memory_space<vmem>>, vector<1x1x16xf32>,
        %get3A_415 = vector.shape_cast %get3A_414 : vector<1x1x16xf32> to vector<16xf32>
        %mul3A_416 = vector.broadcast %squeeze3A_406 : f32 to vector<16xf32>
        %mul3A_417 = arith.mulf %get3A_415, %mul3A_416 : vector<16xf32>
        %swap3A_418 = arith.index_cast %rem3A_68 : i32 to index
        %swap3A_419 = arith.index_cast %add3A_410 : i32 to index
        %swap3A_420 = arith.constant 0 : index
        %swap3A_421 = tpu.vector_load %arg10[%swap3A_418, %swap3A_419, %swap3A_420] {strides = array<i32>} : memref<2x80x64xf32, #tpu.memory_space<vmem>>, vector<1x1x16xf32>,
        %swap3A_422 = vector.shape_cast %swap3A_421 : vector<1x1x16xf32> to vector<16xf32>
        %swap3A_423 = vector.shape_cast %mul3A_417 : vector<16xf32> to vector<1x1x16xf32>
        tpu.vector_store %arg10[%swap3A_418, %swap3A_419, %swap3A_420], %swap3A_423 {strides = array<i32>} : memref<2x80x64xf32, #tpu.memory_space<vmem>>, vector<1x1x16xf32>,
        %get3A_424 = arith.index_cast %rem3A_68 : i32 to index
        %get3A_425 = arith.index_cast %add3A_410 : i32 to index
        %get3A_426 = arith.constant 16 : index
        %get3A_427 = tpu.vector_load %arg10[%get3A_424, %get3A_425, %get3A_426] {strides = array<i32>} : memref<2x80x64xf32, #tpu.memory_space<vmem>>, vector<1x1x16xf32>,
        %get3A_428 = vector.shape_cast %get3A_427 : vector<1x1x16xf32> to vector<16xf32>
        %mul3A_429 = vector.broadcast %squeeze3A_406 : f32 to vector<16xf32>
        %mul3A_430 = arith.mulf %get3A_428, %mul3A_429 : vector<16xf32>
        %swap3A_431 = arith.index_cast %rem3A_68 : i32 to index
        %swap3A_432 = arith.index_cast %add3A_410 : i32 to index
        %swap3A_433 = arith.constant 16 : index
        %swap3A_434 = tpu.vector_load %arg10[%swap3A_431, %swap3A_432, %swap3A_433] {strides = array<i32>} : memref<2x80x64xf32, #tpu.memory_space<vmem>>, vector<1x1x16xf32>,
        %swap3A_435 = vector.shape_cast %swap3A_434 : vector<1x1x16xf32> to vector<16xf32>
        %swap3A_436 = vector.shape_cast %mul3A_430 : vector<16xf32> to vector<1x1x16xf32>
        tpu.vector_store %arg10[%swap3A_431, %swap3A_432, %swap3A_433], %swap3A_436 {strides = array<i32>} : memref<2x80x64xf32, #tpu.memory_space<vmem>>, vector<1x1x16xf32>,
        %get3A_437 = arith.index_cast %rem3A_68 : i32 to index
        %get3A_438 = arith.index_cast %add3A_410 : i32 to index
        %get3A_439 = arith.constant 32 : index
        %get3A_440 = tpu.vector_load %arg10[%get3A_437, %get3A_438, %get3A_439] {strides = array<i32>} : memref<2x80x64xf32, #tpu.memory_space<vmem>>, vector<1x1x16xf32>,
        %get3A_441 = vector.shape_cast %get3A_440 : vector<1x1x16xf32> to vector<16xf32>
        %mul3A_442 = vector.broadcast %squeeze3A_406 : f32 to vector<16xf32>
        %mul3A_443 = arith.mulf %get3A_441, %mul3A_442 : vector<16xf32>
        %swap3A_444 = arith.index_cast %rem3A_68 : i32 to index
        %swap3A_445 = arith.index_cast %add3A_410 : i32 to index
        %swap3A_446 = arith.constant 32 : index
        %swap3A_447 = tpu.vector_load %arg10[%swap3A_444, %swap3A_445, %swap3A_446] {strides = array<i32>} : memref<2x80x64xf32, #tpu.memory_space<vmem>>, vector<1x1x16xf32>,
        %swap3A_448 = vector.shape_cast %swap3A_447 : vector<1x1x16xf32> to vector<16xf32>
        %swap3A_449 = vector.shape_cast %mul3A_443 : vector<16xf32> to vector<1x1x16xf32>
        tpu.vector_store %arg10[%swap3A_444, %swap3A_445, %swap3A_446], %swap3A_449 {strides = array<i32>} : memref<2x80x64xf32, #tpu.memory_space<vmem>>, vector<1x1x16xf32>,
        %get3A_450 = arith.index_cast %rem3A_68 : i32 to index
        %get3A_451 = arith.index_cast %add3A_410 : i32 to index
        %get3A_452 = arith.constant 48 : index
        %get3A_453 = tpu.vector_load %arg10[%get3A_450, %get3A_451, %get3A_452] {strides = array<i32>} : memref<2x80x64xf32, #tpu.memory_space<vmem>>, vector<1x1x16xf32>,
        %get3A_454 = vector.shape_cast %get3A_453 : vector<1x1x16xf32> to vector<16xf32>
        %mul3A_455 = vector.broadcast %squeeze3A_406 : f32 to vector<16xf32>
        %mul3A_456 = arith.mulf %get3A_454, %mul3A_455 : vector<16xf32>
        %swap3A_457 = arith.index_cast %rem3A_68 : i32 to index
        %swap3A_458 = arith.index_cast %add3A_410 : i32 to index
        %swap3A_459 = arith.constant 48 : index
        %swap3A_460 = tpu.vector_load %arg10[%swap3A_457, %swap3A_458, %swap3A_459] {strides = array<i32>} : memref<2x80x64xf32, #tpu.memory_space<vmem>>, vector<1x1x16xf32>,
        %swap3A_461 = vector.shape_cast %swap3A_460 : vector<1x1x16xf32> to vector<16xf32>
        %swap3A_462 = vector.shape_cast %mul3A_456 : vector<16xf32> to vector<1x1x16xf32>
        tpu.vector_store %arg10[%swap3A_457, %swap3A_458, %swap3A_459], %swap3A_462 {strides = array<i32>} : memref<2x80x64xf32, #tpu.memory_space<vmem>>, vector<1x1x16xf32>,
        %slice3A_463 = vector.extract_strided_slice %get3A_117 {offsets = [6], sizes = [1], strides = [1]} : vector<16xf32> to vector<1xf32>
        %squeeze3A_464 = vector.extract %slice3A_463[0] : f32 from vector<1xf32>
        %mul3A_465 = arith.constant 16 : i32
        %mul3A_466 = arith.muli %scan3A_112, %mul3A_465 : i32
        %add3A_467 = arith.constant 6 : i32
        %add3A_468 = arith.addi %mul3A_466, %add3A_467 : i32
        %get3A_469 = arith.index_cast %rem3A_68 : i32 to index
        %get3A_470 = arith.index_cast %add3A_468 : i32 to index
        %get3A_471 = arith.constant 0 : index
        %get3A_472 = tpu.vector_load %arg10[%get3A_469, %get3A_470, %get3A_471] {strides = array<i32>} : memref<2x80x64xf32, #tpu.memory_space<vmem>>, vector<1x1x16xf32>,
        %get3A_473 = vector.shape_cast %get3A_472 : vector<1x1x16xf32> to vector<16xf32>
        %mul3A_474 = vector.broadcast %squeeze3A_464 : f32 to vector<16xf32>
        %mul3A_475 = arith.mulf %get3A_473, %mul3A_474 : vector<16xf32>
        %swap3A_476 = arith.index_cast %rem3A_68 : i32 to index
        %swap3A_477 = arith.index_cast %add3A_468 : i32 to index
        %swap3A_478 = arith.constant 0 : index
        %swap3A_479 = tpu.vector_load %arg10[%swap3A_476, %swap3A_477, %swap3A_478] {strides = array<i32>} : memref<2x80x64xf32, #tpu.memory_space<vmem>>, vector<1x1x16xf32>,
        %swap3A_480 = vector.shape_cast %swap3A_479 : vector<1x1x16xf32> to vector<16xf32>
        %swap3A_481 = vector.shape_cast %mul3A_475 : vector<16xf32> to vector<1x1x16xf32>
        tpu.vector_store %arg10[%swap3A_476, %swap3A_477, %swap3A_478], %swap3A_481 {strides = array<i32>} : memref<2x80x64xf32, #tpu.memory_space<vmem>>, vector<1x1x16xf32>,
        %get3A_482 = arith.index_cast %rem3A_68 : i32 to index
        %get3A_483 = arith.index_cast %add3A_468 : i32 to index
        %get3A_484 = arith.constant 16 : index
        %get3A_485 = tpu.vector_load %arg10[%get3A_482, %get3A_483, %get3A_484] {strides = array<i32>} : memref<2x80x64xf32, #tpu.memory_space<vmem>>, vector<1x1x16xf32>,
        %get3A_486 = vector.shape_cast %get3A_485 : vector<1x1x16xf32> to vector<16xf32>
        %mul3A_487 = vector.broadcast %squeeze3A_464 : f32 to vector<16xf32>
        %mul3A_488 = arith.mulf %get3A_486, %mul3A_487 : vector<16xf32>
        %swap3A_489 = arith.index_cast %rem3A_68 : i32 to index
        %swap3A_490 = arith.index_cast %add3A_468 : i32 to index
        %swap3A_491 = arith.constant 16 : index
        %swap3A_492 = tpu.vector_load %arg10[%swap3A_489, %swap3A_490, %swap3A_491] {strides = array<i32>} : memref<2x80x64xf32, #tpu.memory_space<vmem>>, vector<1x1x16xf32>,
        %swap3A_493 = vector.shape_cast %swap3A_492 : vector<1x1x16xf32> to vector<16xf32>
        %swap3A_494 = vector.shape_cast %mul3A_488 : vector<16xf32> to vector<1x1x16xf32>
        tpu.vector_store %arg10[%swap3A_489, %swap3A_490, %swap3A_491], %swap3A_494 {strides = array<i32>} : memref<2x80x64xf32, #tpu.memory_space<vmem>>, vector<1x1x16xf32>,
        %get3A_495 = arith.index_cast %rem3A_68 : i32 to index
        %get3A_496 = arith.index_cast %add3A_468 : i32 to index
        %get3A_497 = arith.constant 32 : index
        %get3A_498 = tpu.vector_load %arg10[%get3A_495, %get3A_496, %get3A_497] {strides = array<i32>} : memref<2x80x64xf32, #tpu.memory_space<vmem>>, vector<1x1x16xf32>,
        %get3A_499 = vector.shape_cast %get3A_498 : vector<1x1x16xf32> to vector<16xf32>
        %mul3A_500 = vector.broadcast %squeeze3A_464 : f32 to vector<16xf32>
        %mul3A_501 = arith.mulf %get3A_499, %mul3A_500 : vector<16xf32>
        %swap3A_502 = arith.index_cast %rem3A_68 : i32 to index
        %swap3A_503 = arith.index_cast %add3A_468 : i32 to index
        %swap3A_504 = arith.constant 32 : index
        %swap3A_505 = tpu.vector_load %arg10[%swap3A_502, %swap3A_503, %swap3A_504] {strides = array<i32>} : memref<2x80x64xf32, #tpu.memory_space<vmem>>, vector<1x1x16xf32>,
        %swap3A_506 = vector.shape_cast %swap3A_505 : vector<1x1x16xf32> to vector<16xf32>
        %swap3A_507 = vector.shape_cast %mul3A_501 : vector<16xf32> to vector<1x1x16xf32>
        tpu.vector_store %arg10[%swap3A_502, %swap3A_503, %swap3A_504], %swap3A_507 {strides = array<i32>} : memref<2x80x64xf32, #tpu.memory_space<vmem>>, vector<1x1x16xf32>,
        %get3A_508 = arith.index_cast %rem3A_68 : i32 to index
        %get3A_509 = arith.index_cast %add3A_468 : i32 to index
        %get3A_510 = arith.constant 48 : index
        %get3A_511 = tpu.vector_load %arg10[%get3A_508, %get3A_509, %get3A_510] {strides = array<i32>} : memref<2x80x64xf32, #tpu.memory_space<vmem>>, vector<1x1x16xf32>,
        %get3A_512 = vector.shape_cast %get3A_511 : vector<1x1x16xf32> to vector<16xf32>
        %mul3A_513 = vector.broadcast %squeeze3A_464 : f32 to vector<16xf32>
        %mul3A_514 = arith.mulf %get3A_512, %mul3A_513 : vector<16xf32>
        %swap3A_515 = arith.index_cast %rem3A_68 : i32 to index
        %swap3A_516 = arith.index_cast %add3A_468 : i32 to index
        %swap3A_517 = arith.constant 48 : index
        %swap3A_518 = tpu.vector_load %arg10[%swap3A_515, %swap3A_516, %swap3A_517] {strides = array<i32>} : memref<2x80x64xf32, #tpu.memory_space<vmem>>, vector<1x1x16xf32>,
        %swap3A_519 = vector.shape_cast %swap3A_518 : vector<1x1x16xf32> to vector<16xf32>
        %swap3A_520 = vector.shape_cast %mul3A_514 : vector<16xf32> to vector<1x1x16xf32>
        tpu.vector_store %arg10[%swap3A_515, %swap3A_516, %swap3A_517], %swap3A_520 {strides = array<i32>} : memref<2x80x64xf32, #tpu.memory_space<vmem>>, vector<1x1x16xf32>,
        %slice3A_521 = vector.extract_strided_slice %get3A_117 {offsets = [7], sizes = [1], strides = [1]} : vector<16xf32> to vector<1xf32>
        %squeeze3A_522 = vector.extract %slice3A_521[0] : f32 from vector<1xf32>
        %mul3A_523 = arith.constant 16 : i32
        %mul3A_524 = arith.muli %scan3A_112, %mul3A_523 : i32
        %add3A_525 = arith.constant 7 : i32
        %add3A_526 = arith.addi %mul3A_524, %add3A_525 : i32
        %get3A_527 = arith.index_cast %rem3A_68 : i32 to index
        %get3A_528 = arith.index_cast %add3A_526 : i32 to index
        %get3A_529 = arith.constant 0 : index
        %get3A_530 = tpu.vector_load %arg10[%get3A_527, %get3A_528, %get3A_529] {strides = array<i32>} : memref<2x80x64xf32, #tpu.memory_space<vmem>>, vector<1x1x16xf32>,
        %get3A_531 = vector.shape_cast %get3A_530 : vector<1x1x16xf32> to vector<16xf32>
        %mul3A_532 = vector.broadcast %squeeze3A_522 : f32 to vector<16xf32>
        %mul3A_533 = arith.mulf %get3A_531, %mul3A_532 : vector<16xf32>
        %swap3A_534 = arith.index_cast %rem3A_68 : i32 to index
        %swap3A_535 = arith.index_cast %add3A_526 : i32 to index
        %swap3A_536 = arith.constant 0 : index
        %swap3A_537 = tpu.vector_load %arg10[%swap3A_534, %swap3A_535, %swap3A_536] {strides = array<i32>} : memref<2x80x64xf32, #tpu.memory_space<vmem>>, vector<1x1x16xf32>,
        %swap3A_538 = vector.shape_cast %swap3A_537 : vector<1x1x16xf32> to vector<16xf32>
        %swap3A_539 = vector.shape_cast %mul3A_533 : vector<16xf32> to vector<1x1x16xf32>
        tpu.vector_store %arg10[%swap3A_534, %swap3A_535, %swap3A_536], %swap3A_539 {strides = array<i32>} : memref<2x80x64xf32, #tpu.memory_space<vmem>>, vector<1x1x16xf32>,
        %get3A_540 = arith.index_cast %rem3A_68 : i32 to index
        %get3A_541 = arith.index_cast %add3A_526 : i32 to index
        %get3A_542 = arith.constant 16 : index
        %get3A_543 = tpu.vector_load %arg10[%get3A_540, %get3A_541, %get3A_542] {strides = array<i32>} : memref<2x80x64xf32, #tpu.memory_space<vmem>>, vector<1x1x16xf32>,
        %get3A_544 = vector.shape_cast %get3A_543 : vector<1x1x16xf32> to vector<16xf32>
        %mul3A_545 = vector.broadcast %squeeze3A_522 : f32 to vector<16xf32>
        %mul3A_546 = arith.mulf %get3A_544, %mul3A_545 : vector<16xf32>
        %swap3A_547 = arith.index_cast %rem3A_68 : i32 to index
        %swap3A_548 = arith.index_cast %add3A_526 : i32 to index
        %swap3A_549 = arith.constant 16 : index
        %swap3A_550 = tpu.vector_load %arg10[%swap3A_547, %swap3A_548, %swap3A_549] {strides = array<i32>} : memref<2x80x64xf32, #tpu.memory_space<vmem>>, vector<1x1x16xf32>,
        %swap3A_551 = vector.shape_cast %swap3A_550 : vector<1x1x16xf32> to vector<16xf32>
        %swap3A_552 = vector.shape_cast %mul3A_546 : vector<16xf32> to vector<1x1x16xf32>
        tpu.vector_store %arg10[%swap3A_547, %swap3A_548, %swap3A_549], %swap3A_552 {strides = array<i32>} : memref<2x80x64xf32, #tpu.memory_space<vmem>>, vector<1x1x16xf32>,
        %get3A_553 = arith.index_cast %rem3A_68 : i32 to index
        %get3A_554 = arith.index_cast %add3A_526 : i32 to index
        %get3A_555 = arith.constant 32 : index
        %get3A_556 = tpu.vector_load %arg10[%get3A_553, %get3A_554, %get3A_555] {strides = array<i32>} : memref<2x80x64xf32, #tpu.memory_space<vmem>>, vector<1x1x16xf32>,
        %get3A_557 = vector.shape_cast %get3A_556 : vector<1x1x16xf32> to vector<16xf32>
        %mul3A_558 = vector.broadcast %squeeze3A_522 : f32 to vector<16xf32>
        %mul3A_559 = arith.mulf %get3A_557, %mul3A_558 : vector<16xf32>
        %swap3A_560 = arith.index_cast %rem3A_68 : i32 to index
        %swap3A_561 = arith.index_cast %add3A_526 : i32 to index
        %swap3A_562 = arith.constant 32 : index
        %swap3A_563 = tpu.vector_load %arg10[%swap3A_560, %swap3A_561, %swap3A_562] {strides = array<i32>} : memref<2x80x64xf32, #tpu.memory_space<vmem>>, vector<1x1x16xf32>,
        %swap3A_564 = vector.shape_cast %swap3A_563 : vector<1x1x16xf32> to vector<16xf32>
        %swap3A_565 = vector.shape_cast %mul3A_559 : vector<16xf32> to vector<1x1x16xf32>
        tpu.vector_store %arg10[%swap3A_560, %swap3A_561, %swap3A_562], %swap3A_565 {strides = array<i32>} : memref<2x80x64xf32, #tpu.memory_space<vmem>>, vector<1x1x16xf32>,
        %get3A_566 = arith.index_cast %rem3A_68 : i32 to index
        %get3A_567 = arith.index_cast %add3A_526 : i32 to index
        %get3A_568 = arith.constant 48 : index
        %get3A_569 = tpu.vector_load %arg10[%get3A_566, %get3A_567, %get3A_568] {strides = array<i32>} : memref<2x80x64xf32, #tpu.memory_space<vmem>>, vector<1x1x16xf32>,
        %get3A_570 = vector.shape_cast %get3A_569 : vector<1x1x16xf32> to vector<16xf32>
        %mul3A_571 = vector.broadcast %squeeze3A_522 : f32 to vector<16xf32>
        %mul3A_572 = arith.mulf %get3A_570, %mul3A_571 : vector<16xf32>
        %swap3A_573 = arith.index_cast %rem3A_68 : i32 to index
        %swap3A_574 = arith.index_cast %add3A_526 : i32 to index
        %swap3A_575 = arith.constant 48 : index
        %swap3A_576 = tpu.vector_load %arg10[%swap3A_573, %swap3A_574, %swap3A_575] {strides = array<i32>} : memref<2x80x64xf32, #tpu.memory_space<vmem>>, vector<1x1x16xf32>,
        %swap3A_577 = vector.shape_cast %swap3A_576 : vector<1x1x16xf32> to vector<16xf32>
        %swap3A_578 = vector.shape_cast %mul3A_572 : vector<16xf32> to vector<1x1x16xf32>
        tpu.vector_store %arg10[%swap3A_573, %swap3A_574, %swap3A_575], %swap3A_578 {strides = array<i32>} : memref<2x80x64xf32, #tpu.memory_space<vmem>>, vector<1x1x16xf32>,
        %slice3A_579 = vector.extract_strided_slice %get3A_117 {offsets = [8], sizes = [1], strides = [1]} : vector<16xf32> to vector<1xf32>
        %squeeze3A_580 = vector.extract %slice3A_579[0] : f32 from vector<1xf32>
        %mul3A_581 = arith.constant 16 : i32
        %mul3A_582 = arith.muli %scan3A_112, %mul3A_581 : i32
        %add3A_583 = arith.constant 8 : i32
        %add3A_584 = arith.addi %mul3A_582, %add3A_583 : i32
        %get3A_585 = arith.index_cast %rem3A_68 : i32 to index
        %get3A_586 = arith.index_cast %add3A_584 : i32 to index
        %get3A_587 = arith.constant 0 : index
        %get3A_588 = tpu.vector_load %arg10[%get3A_585, %get3A_586, %get3A_587] {strides = array<i32>} : memref<2x80x64xf32, #tpu.memory_space<vmem>>, vector<1x1x16xf32>,
        %get3A_589 = vector.shape_cast %get3A_588 : vector<1x1x16xf32> to vector<16xf32>
        %mul3A_590 = vector.broadcast %squeeze3A_580 : f32 to vector<16xf32>
        %mul3A_591 = arith.mulf %get3A_589, %mul3A_590 : vector<16xf32>
        %swap3A_592 = arith.index_cast %rem3A_68 : i32 to index
        %swap3A_593 = arith.index_cast %add3A_584 : i32 to index
        %swap3A_594 = arith.constant 0 : index
        %swap3A_595 = tpu.vector_load %arg10[%swap3A_592, %swap3A_593, %swap3A_594] {strides = array<i32>} : memref<2x80x64xf32, #tpu.memory_space<vmem>>, vector<1x1x16xf32>,
        %swap3A_596 = vector.shape_cast %swap3A_595 : vector<1x1x16xf32> to vector<16xf32>
        %swap3A_597 = vector.shape_cast %mul3A_591 : vector<16xf32> to vector<1x1x16xf32>
        tpu.vector_store %arg10[%swap3A_592, %swap3A_593, %swap3A_594], %swap3A_597 {strides = array<i32>} : memref<2x80x64xf32, #tpu.memory_space<vmem>>, vector<1x1x16xf32>,
        %get3A_598 = arith.index_cast %rem3A_68 : i32 to index
        %get3A_599 = arith.index_cast %add3A_584 : i32 to index
        %get3A_600 = arith.constant 16 : index
        %get3A_601 = tpu.vector_load %arg10[%get3A_598, %get3A_599, %get3A_600] {strides = array<i32>} : memref<2x80x64xf32, #tpu.memory_space<vmem>>, vector<1x1x16xf32>,
        %get3A_602 = vector.shape_cast %get3A_601 : vector<1x1x16xf32> to vector<16xf32>
        %mul3A_603 = vector.broadcast %squeeze3A_580 : f32 to vector<16xf32>
        %mul3A_604 = arith.mulf %get3A_602, %mul3A_603 : vector<16xf32>
        %swap3A_605 = arith.index_cast %rem3A_68 : i32 to index
        %swap3A_606 = arith.index_cast %add3A_584 : i32 to index
        %swap3A_607 = arith.constant 16 : index
        %swap3A_608 = tpu.vector_load %arg10[%swap3A_605, %swap3A_606, %swap3A_607] {strides = array<i32>} : memref<2x80x64xf32, #tpu.memory_space<vmem>>, vector<1x1x16xf32>,
        %swap3A_609 = vector.shape_cast %swap3A_608 : vector<1x1x16xf32> to vector<16xf32>
        %swap3A_610 = vector.shape_cast %mul3A_604 : vector<16xf32> to vector<1x1x16xf32>
        tpu.vector_store %arg10[%swap3A_605, %swap3A_606, %swap3A_607], %swap3A_610 {strides = array<i32>} : memref<2x80x64xf32, #tpu.memory_space<vmem>>, vector<1x1x16xf32>,
        %get3A_611 = arith.index_cast %rem3A_68 : i32 to index
        %get3A_612 = arith.index_cast %add3A_584 : i32 to index
        %get3A_613 = arith.constant 32 : index
        %get3A_614 = tpu.vector_load %arg10[%get3A_611, %get3A_612, %get3A_613] {strides = array<i32>} : memref<2x80x64xf32, #tpu.memory_space<vmem>>, vector<1x1x16xf32>,
        %get3A_615 = vector.shape_cast %get3A_614 : vector<1x1x16xf32> to vector<16xf32>
        %mul3A_616 = vector.broadcast %squeeze3A_580 : f32 to vector<16xf32>
        %mul3A_617 = arith.mulf %get3A_615, %mul3A_616 : vector<16xf32>
        %swap3A_618 = arith.index_cast %rem3A_68 : i32 to index
        %swap3A_619 = arith.index_cast %add3A_584 : i32 to index
        %swap3A_620 = arith.constant 32 : index
        %swap3A_621 = tpu.vector_load %arg10[%swap3A_618, %swap3A_619, %swap3A_620] {strides = array<i32>} : memref<2x80x64xf32, #tpu.memory_space<vmem>>, vector<1x1x16xf32>,
        %swap3A_622 = vector.shape_cast %swap3A_621 : vector<1x1x16xf32> to vector<16xf32>
        %swap3A_623 = vector.shape_cast %mul3A_617 : vector<16xf32> to vector<1x1x16xf32>
        tpu.vector_store %arg10[%swap3A_618, %swap3A_619, %swap3A_620], %swap3A_623 {strides = array<i32>} : memref<2x80x64xf32, #tpu.memory_space<vmem>>, vector<1x1x16xf32>,
        %get3A_624 = arith.index_cast %rem3A_68 : i32 to index
        %get3A_625 = arith.index_cast %add3A_584 : i32 to index
        %get3A_626 = arith.constant 48 : index
        %get3A_627 = tpu.vector_load %arg10[%get3A_624, %get3A_625, %get3A_626] {strides = array<i32>} : memref<2x80x64xf32, #tpu.memory_space<vmem>>, vector<1x1x16xf32>,
        %get3A_628 = vector.shape_cast %get3A_627 : vector<1x1x16xf32> to vector<16xf32>
        %mul3A_629 = vector.broadcast %squeeze3A_580 : f32 to vector<16xf32>
        %mul3A_630 = arith.mulf %get3A_628, %mul3A_629 : vector<16xf32>
        %swap3A_631 = arith.index_cast %rem3A_68 : i32 to index
        %swap3A_632 = arith.index_cast %add3A_584 : i32 to index
        %swap3A_633 = arith.constant 48 : index
        %swap3A_634 = tpu.vector_load %arg10[%swap3A_631, %swap3A_632, %swap3A_633] {strides = array<i32>} : memref<2x80x64xf32, #tpu.memory_space<vmem>>, vector<1x1x16xf32>,
        %swap3A_635 = vector.shape_cast %swap3A_634 : vector<1x1x16xf32> to vector<16xf32>
        %swap3A_636 = vector.shape_cast %mul3A_630 : vector<16xf32> to vector<1x1x16xf32>
        tpu.vector_store %arg10[%swap3A_631, %swap3A_632, %swap3A_633], %swap3A_636 {strides = array<i32>} : memref<2x80x64xf32, #tpu.memory_space<vmem>>, vector<1x1x16xf32>,
        %slice3A_637 = vector.extract_strided_slice %get3A_117 {offsets = [9], sizes = [1], strides = [1]} : vector<16xf32> to vector<1xf32>
        %squeeze3A_638 = vector.extract %slice3A_637[0] : f32 from vector<1xf32>
        %mul3A_639 = arith.constant 16 : i32
        %mul3A_640 = arith.muli %scan3A_112, %mul3A_639 : i32
        %add3A_641 = arith.constant 9 : i32
        %add3A_642 = arith.addi %mul3A_640, %add3A_641 : i32
        %get3A_643 = arith.index_cast %rem3A_68 : i32 to index
        %get3A_644 = arith.index_cast %add3A_642 : i32 to index
        %get3A_645 = arith.constant 0 : index
        %get3A_646 = tpu.vector_load %arg10[%get3A_643, %get3A_644, %get3A_645] {strides = array<i32>} : memref<2x80x64xf32, #tpu.memory_space<vmem>>, vector<1x1x16xf32>,
        %get3A_647 = vector.shape_cast %get3A_646 : vector<1x1x16xf32> to vector<16xf32>
        %mul3A_648 = vector.broadcast %squeeze3A_638 : f32 to vector<16xf32>
        %mul3A_649 = arith.mulf %get3A_647, %mul3A_648 : vector<16xf32>
        %swap3A_650 = arith.index_cast %rem3A_68 : i32 to index
        %swap3A_651 = arith.index_cast %add3A_642 : i32 to index
        %swap3A_652 = arith.constant 0 : index
        %swap3A_653 = tpu.vector_load %arg10[%swap3A_650, %swap3A_651, %swap3A_652] {strides = array<i32>} : memref<2x80x64xf32, #tpu.memory_space<vmem>>, vector<1x1x16xf32>,
        %swap3A_654 = vector.shape_cast %swap3A_653 : vector<1x1x16xf32> to vector<16xf32>
        %swap3A_655 = vector.shape_cast %mul3A_649 : vector<16xf32> to vector<1x1x16xf32>
        tpu.vector_store %arg10[%swap3A_650, %swap3A_651, %swap3A_652], %swap3A_655 {strides = array<i32>} : memref<2x80x64xf32, #tpu.memory_space<vmem>>, vector<1x1x16xf32>,
        %get3A_656 = arith.index_cast %rem3A_68 : i32 to index
        %get3A_657 = arith.index_cast %add3A_642 : i32 to index
        %get3A_658 = arith.constant 16 : index
        %get3A_659 = tpu.vector_load %arg10[%get3A_656, %get3A_657, %get3A_658] {strides = array<i32>} : memref<2x80x64xf32, #tpu.memory_space<vmem>>, vector<1x1x16xf32>,
        %get3A_660 = vector.shape_cast %get3A_659 : vector<1x1x16xf32> to vector<16xf32>
        %mul3A_661 = vector.broadcast %squeeze3A_638 : f32 to vector<16xf32>
        %mul3A_662 = arith.mulf %get3A_660, %mul3A_661 : vector<16xf32>
        %swap3A_663 = arith.index_cast %rem3A_68 : i32 to index
        %swap3A_664 = arith.index_cast %add3A_642 : i32 to index
        %swap3A_665 = arith.constant 16 : index
        %swap3A_666 = tpu.vector_load %arg10[%swap3A_663, %swap3A_664, %swap3A_665] {strides = array<i32>} : memref<2x80x64xf32, #tpu.memory_space<vmem>>, vector<1x1x16xf32>,
        %swap3A_667 = vector.shape_cast %swap3A_666 : vector<1x1x16xf32> to vector<16xf32>
        %swap3A_668 = vector.shape_cast %mul3A_662 : vector<16xf32> to vector<1x1x16xf32>
        tpu.vector_store %arg10[%swap3A_663, %swap3A_664, %swap3A_665], %swap3A_668 {strides = array<i32>} : memref<2x80x64xf32, #tpu.memory_space<vmem>>, vector<1x1x16xf32>,
        %get3A_669 = arith.index_cast %rem3A_68 : i32 to index
        %get3A_670 = arith.index_cast %add3A_642 : i32 to index
        %get3A_671 = arith.constant 32 : index
        %get3A_672 = tpu.vector_load %arg10[%get3A_669, %get3A_670, %get3A_671] {strides = array<i32>} : memref<2x80x64xf32, #tpu.memory_space<vmem>>, vector<1x1x16xf32>,
        %get3A_673 = vector.shape_cast %get3A_672 : vector<1x1x16xf32> to vector<16xf32>
        %mul3A_674 = vector.broadcast %squeeze3A_638 : f32 to vector<16xf32>
        %mul3A_675 = arith.mulf %get3A_673, %mul3A_674 : vector<16xf32>
        %swap3A_676 = arith.index_cast %rem3A_68 : i32 to index
        %swap3A_677 = arith.index_cast %add3A_642 : i32 to index
        %swap3A_678 = arith.constant 32 : index
        %swap3A_679 = tpu.vector_load %arg10[%swap3A_676, %swap3A_677, %swap3A_678] {strides = array<i32>} : memref<2x80x64xf32, #tpu.memory_space<vmem>>, vector<1x1x16xf32>,
        %swap3A_680 = vector.shape_cast %swap3A_679 : vector<1x1x16xf32> to vector<16xf32>
        %swap3A_681 = vector.shape_cast %mul3A_675 : vector<16xf32> to vector<1x1x16xf32>
        tpu.vector_store %arg10[%swap3A_676, %swap3A_677, %swap3A_678], %swap3A_681 {strides = array<i32>} : memref<2x80x64xf32, #tpu.memory_space<vmem>>, vector<1x1x16xf32>,
        %get3A_682 = arith.index_cast %rem3A_68 : i32 to index
        %get3A_683 = arith.index_cast %add3A_642 : i32 to index
        %get3A_684 = arith.constant 48 : index
        %get3A_685 = tpu.vector_load %arg10[%get3A_682, %get3A_683, %get3A_684] {strides = array<i32>} : memref<2x80x64xf32, #tpu.memory_space<vmem>>, vector<1x1x16xf32>,
        %get3A_686 = vector.shape_cast %get3A_685 : vector<1x1x16xf32> to vector<16xf32>
        %mul3A_687 = vector.broadcast %squeeze3A_638 : f32 to vector<16xf32>
        %mul3A_688 = arith.mulf %get3A_686, %mul3A_687 : vector<16xf32>
        %swap3A_689 = arith.index_cast %rem3A_68 : i32 to index
        %swap3A_690 = arith.index_cast %add3A_642 : i32 to index
        %swap3A_691 = arith.constant 48 : index
        %swap3A_692 = tpu.vector_load %arg10[%swap3A_689, %swap3A_690, %swap3A_691] {strides = array<i32>} : memref<2x80x64xf32, #tpu.memory_space<vmem>>, vector<1x1x16xf32>,
        %swap3A_693 = vector.shape_cast %swap3A_692 : vector<1x1x16xf32> to vector<16xf32>
        %swap3A_694 = vector.shape_cast %mul3A_688 : vector<16xf32> to vector<1x1x16xf32>
        tpu.vector_store %arg10[%swap3A_689, %swap3A_690, %swap3A_691], %swap3A_694 {strides = array<i32>} : memref<2x80x64xf32, #tpu.memory_space<vmem>>, vector<1x1x16xf32>,
        %slice3A_695 = vector.extract_strided_slice %get3A_117 {offsets = [10], sizes = [1], strides = [1]} : vector<16xf32> to vector<1xf32>
        %squeeze3A_696 = vector.extract %slice3A_695[0] : f32 from vector<1xf32>
        %mul3A_697 = arith.constant 16 : i32
        %mul3A_698 = arith.muli %scan3A_112, %mul3A_697 : i32
        %add3A_699 = arith.constant 10 : i32
        %add3A_700 = arith.addi %mul3A_698, %add3A_699 : i32
        %get3A_701 = arith.index_cast %rem3A_68 : i32 to index
        %get3A_702 = arith.index_cast %add3A_700 : i32 to index
        %get3A_703 = arith.constant 0 : index
        %get3A_704 = tpu.vector_load %arg10[%get3A_701, %get3A_702, %get3A_703] {strides = array<i32>} : memref<2x80x64xf32, #tpu.memory_space<vmem>>, vector<1x1x16xf32>,
        %get3A_705 = vector.shape_cast %get3A_704 : vector<1x1x16xf32> to vector<16xf32>
        %mul3A_706 = vector.broadcast %squeeze3A_696 : f32 to vector<16xf32>
        %mul3A_707 = arith.mulf %get3A_705, %mul3A_706 : vector<16xf32>
        %swap3A_708 = arith.index_cast %rem3A_68 : i32 to index
        %swap3A_709 = arith.index_cast %add3A_700 : i32 to index
        %swap3A_710 = arith.constant 0 : index
        %swap3A_711 = tpu.vector_load %arg10[%swap3A_708, %swap3A_709, %swap3A_710] {strides = array<i32>} : memref<2x80x64xf32, #tpu.memory_space<vmem>>, vector<1x1x16xf32>,
        %swap3A_712 = vector.shape_cast %swap3A_711 : vector<1x1x16xf32> to vector<16xf32>
        %swap3A_713 = vector.shape_cast %mul3A_707 : vector<16xf32> to vector<1x1x16xf32>
        tpu.vector_store %arg10[%swap3A_708, %swap3A_709, %swap3A_710], %swap3A_713 {strides = array<i32>} : memref<2x80x64xf32, #tpu.memory_space<vmem>>, vector<1x1x16xf32>,
        %get3A_714 = arith.index_cast %rem3A_68 : i32 to index
        %get3A_715 = arith.index_cast %add3A_700 : i32 to index
        %get3A_716 = arith.constant 16 : index
        %get3A_717 = tpu.vector_load %arg10[%get3A_714, %get3A_715, %get3A_716] {strides = array<i32>} : memref<2x80x64xf32, #tpu.memory_space<vmem>>, vector<1x1x16xf32>,
        %get3A_718 = vector.shape_cast %get3A_717 : vector<1x1x16xf32> to vector<16xf32>
        %mul3A_719 = vector.broadcast %squeeze3A_696 : f32 to vector<16xf32>
        %mul3A_720 = arith.mulf %get3A_718, %mul3A_719 : vector<16xf32>
        %swap3A_721 = arith.index_cast %rem3A_68 : i32 to index
        %swap3A_722 = arith.index_cast %add3A_700 : i32 to index
        %swap3A_723 = arith.constant 16 : index
        %swap3A_724 = tpu.vector_load %arg10[%swap3A_721, %swap3A_722, %swap3A_723] {strides = array<i32>} : memref<2x80x64xf32, #tpu.memory_space<vmem>>, vector<1x1x16xf32>,
        %swap3A_725 = vector.shape_cast %swap3A_724 : vector<1x1x16xf32> to vector<16xf32>
        %swap3A_726 = vector.shape_cast %mul3A_720 : vector<16xf32> to vector<1x1x16xf32>
        tpu.vector_store %arg10[%swap3A_721, %swap3A_722, %swap3A_723], %swap3A_726 {strides = array<i32>} : memref<2x80x64xf32, #tpu.memory_space<vmem>>, vector<1x1x16xf32>,
        %get3A_727 = arith.index_cast %rem3A_68 : i32 to index
        %get3A_728 = arith.index_cast %add3A_700 : i32 to index
        %get3A_729 = arith.constant 32 : index
        %get3A_730 = tpu.vector_load %arg10[%get3A_727, %get3A_728, %get3A_729] {strides = array<i32>} : memref<2x80x64xf32, #tpu.memory_space<vmem>>, vector<1x1x16xf32>,
        %get3A_731 = vector.shape_cast %get3A_730 : vector<1x1x16xf32> to vector<16xf32>
        %mul3A_732 = vector.broadcast %squeeze3A_696 : f32 to vector<16xf32>
        %mul3A_733 = arith.mulf %get3A_731, %mul3A_732 : vector<16xf32>
        %swap3A_734 = arith.index_cast %rem3A_68 : i32 to index
        %swap3A_735 = arith.index_cast %add3A_700 : i32 to index
        %swap3A_736 = arith.constant 32 : index
        %swap3A_737 = tpu.vector_load %arg10[%swap3A_734, %swap3A_735, %swap3A_736] {strides = array<i32>} : memref<2x80x64xf32, #tpu.memory_space<vmem>>, vector<1x1x16xf32>,
        %swap3A_738 = vector.shape_cast %swap3A_737 : vector<1x1x16xf32> to vector<16xf32>
        %swap3A_739 = vector.shape_cast %mul3A_733 : vector<16xf32> to vector<1x1x16xf32>
        tpu.vector_store %arg10[%swap3A_734, %swap3A_735, %swap3A_736], %swap3A_739 {strides = array<i32>} : memref<2x80x64xf32, #tpu.memory_space<vmem>>, vector<1x1x16xf32>,
        %get3A_740 = arith.index_cast %rem3A_68 : i32 to index
        %get3A_741 = arith.index_cast %add3A_700 : i32 to index
        %get3A_742 = arith.constant 48 : index
        %get3A_743 = tpu.vector_load %arg10[%get3A_740, %get3A_741, %get3A_742] {strides = array<i32>} : memref<2x80x64xf32, #tpu.memory_space<vmem>>, vector<1x1x16xf32>,
        %get3A_744 = vector.shape_cast %get3A_743 : vector<1x1x16xf32> to vector<16xf32>
        %mul3A_745 = vector.broadcast %squeeze3A_696 : f32 to vector<16xf32>
        %mul3A_746 = arith.mulf %get3A_744, %mul3A_745 : vector<16xf32>
        %swap3A_747 = arith.index_cast %rem3A_68 : i32 to index
        %swap3A_748 = arith.index_cast %add3A_700 : i32 to index
        %swap3A_749 = arith.constant 48 : index
        %swap3A_750 = tpu.vector_load %arg10[%swap3A_747, %swap3A_748, %swap3A_749] {strides = array<i32>} : memref<2x80x64xf32, #tpu.memory_space<vmem>>, vector<1x1x16xf32>,
        %swap3A_751 = vector.shape_cast %swap3A_750 : vector<1x1x16xf32> to vector<16xf32>
        %swap3A_752 = vector.shape_cast %mul3A_746 : vector<16xf32> to vector<1x1x16xf32>
        tpu.vector_store %arg10[%swap3A_747, %swap3A_748, %swap3A_749], %swap3A_752 {strides = array<i32>} : memref<2x80x64xf32, #tpu.memory_space<vmem>>, vector<1x1x16xf32>,
        %slice3A_753 = vector.extract_strided_slice %get3A_117 {offsets = [11], sizes = [1], strides = [1]} : vector<16xf32> to vector<1xf32>
        %squeeze3A_754 = vector.extract %slice3A_753[0] : f32 from vector<1xf32>
        %mul3A_755 = arith.constant 16 : i32
        %mul3A_756 = arith.muli %scan3A_112, %mul3A_755 : i32
        %add3A_757 = arith.constant 11 : i32
        %add3A_758 = arith.addi %mul3A_756, %add3A_757 : i32
        %get3A_759 = arith.index_cast %rem3A_68 : i32 to index
        %get3A_760 = arith.index_cast %add3A_758 : i32 to index
        %get3A_761 = arith.constant 0 : index
        %get3A_762 = tpu.vector_load %arg10[%get3A_759, %get3A_760, %get3A_761] {strides = array<i32>} : memref<2x80x64xf32, #tpu.memory_space<vmem>>, vector<1x1x16xf32>,
        %get3A_763 = vector.shape_cast %get3A_762 : vector<1x1x16xf32> to vector<16xf32>
        %mul3A_764 = vector.broadcast %squeeze3A_754 : f32 to vector<16xf32>
        %mul3A_765 = arith.mulf %get3A_763, %mul3A_764 : vector<16xf32>
        %swap3A_766 = arith.index_cast %rem3A_68 : i32 to index
        %swap3A_767 = arith.index_cast %add3A_758 : i32 to index
        %swap3A_768 = arith.constant 0 : index
        %swap3A_769 = tpu.vector_load %arg10[%swap3A_766, %swap3A_767, %swap3A_768] {strides = array<i32>} : memref<2x80x64xf32, #tpu.memory_space<vmem>>, vector<1x1x16xf32>,
        %swap3A_770 = vector.shape_cast %swap3A_769 : vector<1x1x16xf32> to vector<16xf32>
        %swap3A_771 = vector.shape_cast %mul3A_765 : vector<16xf32> to vector<1x1x16xf32>
        tpu.vector_store %arg10[%swap3A_766, %swap3A_767, %swap3A_768], %swap3A_771 {strides = array<i32>} : memref<2x80x64xf32, #tpu.memory_space<vmem>>, vector<1x1x16xf32>,
        %get3A_772 = arith.index_cast %rem3A_68 : i32 to index
        %get3A_773 = arith.index_cast %add3A_758 : i32 to index
        %get3A_774 = arith.constant 16 : index
        %get3A_775 = tpu.vector_load %arg10[%get3A_772, %get3A_773, %get3A_774] {strides = array<i32>} : memref<2x80x64xf32, #tpu.memory_space<vmem>>, vector<1x1x16xf32>,
        %get3A_776 = vector.shape_cast %get3A_775 : vector<1x1x16xf32> to vector<16xf32>
        %mul3A_777 = vector.broadcast %squeeze3A_754 : f32 to vector<16xf32>
        %mul3A_778 = arith.mulf %get3A_776, %mul3A_777 : vector<16xf32>
        %swap3A_779 = arith.index_cast %rem3A_68 : i32 to index
        %swap3A_780 = arith.index_cast %add3A_758 : i32 to index
        %swap3A_781 = arith.constant 16 : index
        %swap3A_782 = tpu.vector_load %arg10[%swap3A_779, %swap3A_780, %swap3A_781] {strides = array<i32>} : memref<2x80x64xf32, #tpu.memory_space<vmem>>, vector<1x1x16xf32>,
        %swap3A_783 = vector.shape_cast %swap3A_782 : vector<1x1x16xf32> to vector<16xf32>
        %swap3A_784 = vector.shape_cast %mul3A_778 : vector<16xf32> to vector<1x1x16xf32>
        tpu.vector_store %arg10[%swap3A_779, %swap3A_780, %swap3A_781], %swap3A_784 {strides = array<i32>} : memref<2x80x64xf32, #tpu.memory_space<vmem>>, vector<1x1x16xf32>,
        %get3A_785 = arith.index_cast %rem3A_68 : i32 to index
        %get3A_786 = arith.index_cast %add3A_758 : i32 to index
        %get3A_787 = arith.constant 32 : index
        %get3A_788 = tpu.vector_load %arg10[%get3A_785, %get3A_786, %get3A_787] {strides = array<i32>} : memref<2x80x64xf32, #tpu.memory_space<vmem>>, vector<1x1x16xf32>,
        %get3A_789 = vector.shape_cast %get3A_788 : vector<1x1x16xf32> to vector<16xf32>
        %mul3A_790 = vector.broadcast %squeeze3A_754 : f32 to vector<16xf32>
        %mul3A_791 = arith.mulf %get3A_789, %mul3A_790 : vector<16xf32>
        %swap3A_792 = arith.index_cast %rem3A_68 : i32 to index
        %swap3A_793 = arith.index_cast %add3A_758 : i32 to index
        %swap3A_794 = arith.constant 32 : index
        %swap3A_795 = tpu.vector_load %arg10[%swap3A_792, %swap3A_793, %swap3A_794] {strides = array<i32>} : memref<2x80x64xf32, #tpu.memory_space<vmem>>, vector<1x1x16xf32>,
        %swap3A_796 = vector.shape_cast %swap3A_795 : vector<1x1x16xf32> to vector<16xf32>
        %swap3A_797 = vector.shape_cast %mul3A_791 : vector<16xf32> to vector<1x1x16xf32>
        tpu.vector_store %arg10[%swap3A_792, %swap3A_793, %swap3A_794], %swap3A_797 {strides = array<i32>} : memref<2x80x64xf32, #tpu.memory_space<vmem>>, vector<1x1x16xf32>,
        %get3A_798 = arith.index_cast %rem3A_68 : i32 to index
        %get3A_799 = arith.index_cast %add3A_758 : i32 to index
        %get3A_800 = arith.constant 48 : index
        %get3A_801 = tpu.vector_load %arg10[%get3A_798, %get3A_799, %get3A_800] {strides = array<i32>} : memref<2x80x64xf32, #tpu.memory_space<vmem>>, vector<1x1x16xf32>,
        %get3A_802 = vector.shape_cast %get3A_801 : vector<1x1x16xf32> to vector<16xf32>
        %mul3A_803 = vector.broadcast %squeeze3A_754 : f32 to vector<16xf32>
        %mul3A_804 = arith.mulf %get3A_802, %mul3A_803 : vector<16xf32>
        %swap3A_805 = arith.index_cast %rem3A_68 : i32 to index
        %swap3A_806 = arith.index_cast %add3A_758 : i32 to index
        %swap3A_807 = arith.constant 48 : index
        %swap3A_808 = tpu.vector_load %arg10[%swap3A_805, %swap3A_806, %swap3A_807] {strides = array<i32>} : memref<2x80x64xf32, #tpu.memory_space<vmem>>, vector<1x1x16xf32>,
        %swap3A_809 = vector.shape_cast %swap3A_808 : vector<1x1x16xf32> to vector<16xf32>
        %swap3A_810 = vector.shape_cast %mul3A_804 : vector<16xf32> to vector<1x1x16xf32>
        tpu.vector_store %arg10[%swap3A_805, %swap3A_806, %swap3A_807], %swap3A_810 {strides = array<i32>} : memref<2x80x64xf32, #tpu.memory_space<vmem>>, vector<1x1x16xf32>,
        %slice3A_811 = vector.extract_strided_slice %get3A_117 {offsets = [12], sizes = [1], strides = [1]} : vector<16xf32> to vector<1xf32>
        %squeeze3A_812 = vector.extract %slice3A_811[0] : f32 from vector<1xf32>
        %mul3A_813 = arith.constant 16 : i32
        %mul3A_814 = arith.muli %scan3A_112, %mul3A_813 : i32
        %add3A_815 = arith.constant 12 : i32
        %add3A_816 = arith.addi %mul3A_814, %add3A_815 : i32
        %get3A_817 = arith.index_cast %rem3A_68 : i32 to index
        %get3A_818 = arith.index_cast %add3A_816 : i32 to index
        %get3A_819 = arith.constant 0 : index
        %get3A_820 = tpu.vector_load %arg10[%get3A_817, %get3A_818, %get3A_819] {strides = array<i32>} : memref<2x80x64xf32, #tpu.memory_space<vmem>>, vector<1x1x16xf32>,
        %get3A_821 = vector.shape_cast %get3A_820 : vector<1x1x16xf32> to vector<16xf32>
        %mul3A_822 = vector.broadcast %squeeze3A_812 : f32 to vector<16xf32>
        %mul3A_823 = arith.mulf %get3A_821, %mul3A_822 : vector<16xf32>
        %swap3A_824 = arith.index_cast %rem3A_68 : i32 to index
        %swap3A_825 = arith.index_cast %add3A_816 : i32 to index
        %swap3A_826 = arith.constant 0 : index
        %swap3A_827 = tpu.vector_load %arg10[%swap3A_824, %swap3A_825, %swap3A_826] {strides = array<i32>} : memref<2x80x64xf32, #tpu.memory_space<vmem>>, vector<1x1x16xf32>,
        %swap3A_828 = vector.shape_cast %swap3A_827 : vector<1x1x16xf32> to vector<16xf32>
        %swap3A_829 = vector.shape_cast %mul3A_823 : vector<16xf32> to vector<1x1x16xf32>
        tpu.vector_store %arg10[%swap3A_824, %swap3A_825, %swap3A_826], %swap3A_829 {strides = array<i32>} : memref<2x80x64xf32, #tpu.memory_space<vmem>>, vector<1x1x16xf32>,
        %get3A_830 = arith.index_cast %rem3A_68 : i32 to index
        %get3A_831 = arith.index_cast %add3A_816 : i32 to index
        %get3A_832 = arith.constant 16 : index
        %get3A_833 = tpu.vector_load %arg10[%get3A_830, %get3A_831, %get3A_832] {strides = array<i32>} : memref<2x80x64xf32, #tpu.memory_space<vmem>>, vector<1x1x16xf32>,
        %get3A_834 = vector.shape_cast %get3A_833 : vector<1x1x16xf32> to vector<16xf32>
        %mul3A_835 = vector.broadcast %squeeze3A_812 : f32 to vector<16xf32>
        %mul3A_836 = arith.mulf %get3A_834, %mul3A_835 : vector<16xf32>
        %swap3A_837 = arith.index_cast %rem3A_68 : i32 to index
        %swap3A_838 = arith.index_cast %add3A_816 : i32 to index
        %swap3A_839 = arith.constant 16 : index
        %swap3A_840 = tpu.vector_load %arg10[%swap3A_837, %swap3A_838, %swap3A_839] {strides = array<i32>} : memref<2x80x64xf32, #tpu.memory_space<vmem>>, vector<1x1x16xf32>,
        %swap3A_841 = vector.shape_cast %swap3A_840 : vector<1x1x16xf32> to vector<16xf32>
        %swap3A_842 = vector.shape_cast %mul3A_836 : vector<16xf32> to vector<1x1x16xf32>
        tpu.vector_store %arg10[%swap3A_837, %swap3A_838, %swap3A_839], %swap3A_842 {strides = array<i32>} : memref<2x80x64xf32, #tpu.memory_space<vmem>>, vector<1x1x16xf32>,
        %get3A_843 = arith.index_cast %rem3A_68 : i32 to index
        %get3A_844 = arith.index_cast %add3A_816 : i32 to index
        %get3A_845 = arith.constant 32 : index
        %get3A_846 = tpu.vector_load %arg10[%get3A_843, %get3A_844, %get3A_845] {strides = array<i32>} : memref<2x80x64xf32, #tpu.memory_space<vmem>>, vector<1x1x16xf32>,
        %get3A_847 = vector.shape_cast %get3A_846 : vector<1x1x16xf32> to vector<16xf32>
        %mul3A_848 = vector.broadcast %squeeze3A_812 : f32 to vector<16xf32>
        %mul3A_849 = arith.mulf %get3A_847, %mul3A_848 : vector<16xf32>
        %swap3A_850 = arith.index_cast %rem3A_68 : i32 to index
        %swap3A_851 = arith.index_cast %add3A_816 : i32 to index
        %swap3A_852 = arith.constant 32 : index
        %swap3A_853 = tpu.vector_load %arg10[%swap3A_850, %swap3A_851, %swap3A_852] {strides = array<i32>} : memref<2x80x64xf32, #tpu.memory_space<vmem>>, vector<1x1x16xf32>,
        %swap3A_854 = vector.shape_cast %swap3A_853 : vector<1x1x16xf32> to vector<16xf32>
        %swap3A_855 = vector.shape_cast %mul3A_849 : vector<16xf32> to vector<1x1x16xf32>
        tpu.vector_store %arg10[%swap3A_850, %swap3A_851, %swap3A_852], %swap3A_855 {strides = array<i32>} : memref<2x80x64xf32, #tpu.memory_space<vmem>>, vector<1x1x16xf32>,
        %get3A_856 = arith.index_cast %rem3A_68 : i32 to index
        %get3A_857 = arith.index_cast %add3A_816 : i32 to index
        %get3A_858 = arith.constant 48 : index
        %get3A_859 = tpu.vector_load %arg10[%get3A_856, %get3A_857, %get3A_858] {strides = array<i32>} : memref<2x80x64xf32, #tpu.memory_space<vmem>>, vector<1x1x16xf32>,
        %get3A_860 = vector.shape_cast %get3A_859 : vector<1x1x16xf32> to vector<16xf32>
        %mul3A_861 = vector.broadcast %squeeze3A_812 : f32 to vector<16xf32>
        %mul3A_862 = arith.mulf %get3A_860, %mul3A_861 : vector<16xf32>
        %swap3A_863 = arith.index_cast %rem3A_68 : i32 to index
        %swap3A_864 = arith.index_cast %add3A_816 : i32 to index
        %swap3A_865 = arith.constant 48 : index
        %swap3A_866 = tpu.vector_load %arg10[%swap3A_863, %swap3A_864, %swap3A_865] {strides = array<i32>} : memref<2x80x64xf32, #tpu.memory_space<vmem>>, vector<1x1x16xf32>,
        %swap3A_867 = vector.shape_cast %swap3A_866 : vector<1x1x16xf32> to vector<16xf32>
        %swap3A_868 = vector.shape_cast %mul3A_862 : vector<16xf32> to vector<1x1x16xf32>
        tpu.vector_store %arg10[%swap3A_863, %swap3A_864, %swap3A_865], %swap3A_868 {strides = array<i32>} : memref<2x80x64xf32, #tpu.memory_space<vmem>>, vector<1x1x16xf32>,
        %slice3A_869 = vector.extract_strided_slice %get3A_117 {offsets = [13], sizes = [1], strides = [1]} : vector<16xf32> to vector<1xf32>
        %squeeze3A_870 = vector.extract %slice3A_869[0] : f32 from vector<1xf32>
        %mul3A_871 = arith.constant 16 : i32
        %mul3A_872 = arith.muli %scan3A_112, %mul3A_871 : i32
        %add3A_873 = arith.constant 13 : i32
        %add3A_874 = arith.addi %mul3A_872, %add3A_873 : i32
        %get3A_875 = arith.index_cast %rem3A_68 : i32 to index
        %get3A_876 = arith.index_cast %add3A_874 : i32 to index
        %get3A_877 = arith.constant 0 : index
        %get3A_878 = tpu.vector_load %arg10[%get3A_875, %get3A_876, %get3A_877] {strides = array<i32>} : memref<2x80x64xf32, #tpu.memory_space<vmem>>, vector<1x1x16xf32>,
        %get3A_879 = vector.shape_cast %get3A_878 : vector<1x1x16xf32> to vector<16xf32>
        %mul3A_880 = vector.broadcast %squeeze3A_870 : f32 to vector<16xf32>
        %mul3A_881 = arith.mulf %get3A_879, %mul3A_880 : vector<16xf32>
        %swap3A_882 = arith.index_cast %rem3A_68 : i32 to index
        %swap3A_883 = arith.index_cast %add3A_874 : i32 to index
        %swap3A_884 = arith.constant 0 : index
        %swap3A_885 = tpu.vector_load %arg10[%swap3A_882, %swap3A_883, %swap3A_884] {strides = array<i32>} : memref<2x80x64xf32, #tpu.memory_space<vmem>>, vector<1x1x16xf32>,
        %swap3A_886 = vector.shape_cast %swap3A_885 : vector<1x1x16xf32> to vector<16xf32>
        %swap3A_887 = vector.shape_cast %mul3A_881 : vector<16xf32> to vector<1x1x16xf32>
        tpu.vector_store %arg10[%swap3A_882, %swap3A_883, %swap3A_884], %swap3A_887 {strides = array<i32>} : memref<2x80x64xf32, #tpu.memory_space<vmem>>, vector<1x1x16xf32>,
        %get3A_888 = arith.index_cast %rem3A_68 : i32 to index
        %get3A_889 = arith.index_cast %add3A_874 : i32 to index
        %get3A_890 = arith.constant 16 : index
        %get3A_891 = tpu.vector_load %arg10[%get3A_888, %get3A_889, %get3A_890] {strides = array<i32>} : memref<2x80x64xf32, #tpu.memory_space<vmem>>, vector<1x1x16xf32>,
        %get3A_892 = vector.shape_cast %get3A_891 : vector<1x1x16xf32> to vector<16xf32>
        %mul3A_893 = vector.broadcast %squeeze3A_870 : f32 to vector<16xf32>
        %mul3A_894 = arith.mulf %get3A_892, %mul3A_893 : vector<16xf32>
        %swap3A_895 = arith.index_cast %rem3A_68 : i32 to index
        %swap3A_896 = arith.index_cast %add3A_874 : i32 to index
        %swap3A_897 = arith.constant 16 : index
        %swap3A_898 = tpu.vector_load %arg10[%swap3A_895, %swap3A_896, %swap3A_897] {strides = array<i32>} : memref<2x80x64xf32, #tpu.memory_space<vmem>>, vector<1x1x16xf32>,
        %swap3A_899 = vector.shape_cast %swap3A_898 : vector<1x1x16xf32> to vector<16xf32>
        %swap3A_900 = vector.shape_cast %mul3A_894 : vector<16xf32> to vector<1x1x16xf32>
        tpu.vector_store %arg10[%swap3A_895, %swap3A_896, %swap3A_897], %swap3A_900 {strides = array<i32>} : memref<2x80x64xf32, #tpu.memory_space<vmem>>, vector<1x1x16xf32>,
        %get3A_901 = arith.index_cast %rem3A_68 : i32 to index
        %get3A_902 = arith.index_cast %add3A_874 : i32 to index
        %get3A_903 = arith.constant 32 : index
        %get3A_904 = tpu.vector_load %arg10[%get3A_901, %get3A_902, %get3A_903] {strides = array<i32>} : memref<2x80x64xf32, #tpu.memory_space<vmem>>, vector<1x1x16xf32>,
        %get3A_905 = vector.shape_cast %get3A_904 : vector<1x1x16xf32> to vector<16xf32>
        %mul3A_906 = vector.broadcast %squeeze3A_870 : f32 to vector<16xf32>
        %mul3A_907 = arith.mulf %get3A_905, %mul3A_906 : vector<16xf32>
        %swap3A_908 = arith.index_cast %rem3A_68 : i32 to index
        %swap3A_909 = arith.index_cast %add3A_874 : i32 to index
        %swap3A_910 = arith.constant 32 : index
        %swap3A_911 = tpu.vector_load %arg10[%swap3A_908, %swap3A_909, %swap3A_910] {strides = array<i32>} : memref<2x80x64xf32, #tpu.memory_space<vmem>>, vector<1x1x16xf32>,
        %swap3A_912 = vector.shape_cast %swap3A_911 : vector<1x1x16xf32> to vector<16xf32>
        %swap3A_913 = vector.shape_cast %mul3A_907 : vector<16xf32> to vector<1x1x16xf32>
        tpu.vector_store %arg10[%swap3A_908, %swap3A_909, %swap3A_910], %swap3A_913 {strides = array<i32>} : memref<2x80x64xf32, #tpu.memory_space<vmem>>, vector<1x1x16xf32>,
        %get3A_914 = arith.index_cast %rem3A_68 : i32 to index
        %get3A_915 = arith.index_cast %add3A_874 : i32 to index
        %get3A_916 = arith.constant 48 : index
        %get3A_917 = tpu.vector_load %arg10[%get3A_914, %get3A_915, %get3A_916] {strides = array<i32>} : memref<2x80x64xf32, #tpu.memory_space<vmem>>, vector<1x1x16xf32>,
        %get3A_918 = vector.shape_cast %get3A_917 : vector<1x1x16xf32> to vector<16xf32>
        %mul3A_919 = vector.broadcast %squeeze3A_870 : f32 to vector<16xf32>
        %mul3A_920 = arith.mulf %get3A_918, %mul3A_919 : vector<16xf32>
        %swap3A_921 = arith.index_cast %rem3A_68 : i32 to index
        %swap3A_922 = arith.index_cast %add3A_874 : i32 to index
        %swap3A_923 = arith.constant 48 : index
        %swap3A_924 = tpu.vector_load %arg10[%swap3A_921, %swap3A_922, %swap3A_923] {strides = array<i32>} : memref<2x80x64xf32, #tpu.memory_space<vmem>>, vector<1x1x16xf32>,
        %swap3A_925 = vector.shape_cast %swap3A_924 : vector<1x1x16xf32> to vector<16xf32>
        %swap3A_926 = vector.shape_cast %mul3A_920 : vector<16xf32> to vector<1x1x16xf32>
        tpu.vector_store %arg10[%swap3A_921, %swap3A_922, %swap3A_923], %swap3A_926 {strides = array<i32>} : memref<2x80x64xf32, #tpu.memory_space<vmem>>, vector<1x1x16xf32>,
        %slice3A_927 = vector.extract_strided_slice %get3A_117 {offsets = [14], sizes = [1], strides = [1]} : vector<16xf32> to vector<1xf32>
        %squeeze3A_928 = vector.extract %slice3A_927[0] : f32 from vector<1xf32>
        %mul3A_929 = arith.constant 16 : i32
        %mul3A_930 = arith.muli %scan3A_112, %mul3A_929 : i32
        %add3A_931 = arith.constant 14 : i32
        %add3A_932 = arith.addi %mul3A_930, %add3A_931 : i32
        %get3A_933 = arith.index_cast %rem3A_68 : i32 to index
        %get3A_934 = arith.index_cast %add3A_932 : i32 to index
        %get3A_935 = arith.constant 0 : index
        %get3A_936 = tpu.vector_load %arg10[%get3A_933, %get3A_934, %get3A_935] {strides = array<i32>} : memref<2x80x64xf32, #tpu.memory_space<vmem>>, vector<1x1x16xf32>,
        %get3A_937 = vector.shape_cast %get3A_936 : vector<1x1x16xf32> to vector<16xf32>
        %mul3A_938 = vector.broadcast %squeeze3A_928 : f32 to vector<16xf32>
        %mul3A_939 = arith.mulf %get3A_937, %mul3A_938 : vector<16xf32>
        %swap3A_940 = arith.index_cast %rem3A_68 : i32 to index
        %swap3A_941 = arith.index_cast %add3A_932 : i32 to index
        %swap3A_942 = arith.constant 0 : index
        %swap3A_943 = tpu.vector_load %arg10[%swap3A_940, %swap3A_941, %swap3A_942] {strides = array<i32>} : memref<2x80x64xf32, #tpu.memory_space<vmem>>, vector<1x1x16xf32>,
        %swap3A_944 = vector.shape_cast %swap3A_943 : vector<1x1x16xf32> to vector<16xf32>
        %swap3A_945 = vector.shape_cast %mul3A_939 : vector<16xf32> to vector<1x1x16xf32>
        tpu.vector_store %arg10[%swap3A_940, %swap3A_941, %swap3A_942], %swap3A_945 {strides = array<i32>} : memref<2x80x64xf32, #tpu.memory_space<vmem>>, vector<1x1x16xf32>,
        %get3A_946 = arith.index_cast %rem3A_68 : i32 to index
        %get3A_947 = arith.index_cast %add3A_932 : i32 to index
        %get3A_948 = arith.constant 16 : index
        %get3A_949 = tpu.vector_load %arg10[%get3A_946, %get3A_947, %get3A_948] {strides = array<i32>} : memref<2x80x64xf32, #tpu.memory_space<vmem>>, vector<1x1x16xf32>,
        %get3A_950 = vector.shape_cast %get3A_949 : vector<1x1x16xf32> to vector<16xf32>
        %mul3A_951 = vector.broadcast %squeeze3A_928 : f32 to vector<16xf32>
        %mul3A_952 = arith.mulf %get3A_950, %mul3A_951 : vector<16xf32>
        %swap3A_953 = arith.index_cast %rem3A_68 : i32 to index
        %swap3A_954 = arith.index_cast %add3A_932 : i32 to index
        %swap3A_955 = arith.constant 16 : index
        %swap3A_956 = tpu.vector_load %arg10[%swap3A_953, %swap3A_954, %swap3A_955] {strides = array<i32>} : memref<2x80x64xf32, #tpu.memory_space<vmem>>, vector<1x1x16xf32>,
        %swap3A_957 = vector.shape_cast %swap3A_956 : vector<1x1x16xf32> to vector<16xf32>
        %swap3A_958 = vector.shape_cast %mul3A_952 : vector<16xf32> to vector<1x1x16xf32>
        tpu.vector_store %arg10[%swap3A_953, %swap3A_954, %swap3A_955], %swap3A_958 {strides = array<i32>} : memref<2x80x64xf32, #tpu.memory_space<vmem>>, vector<1x1x16xf32>,
        %get3A_959 = arith.index_cast %rem3A_68 : i32 to index
        %get3A_960 = arith.index_cast %add3A_932 : i32 to index
        %get3A_961 = arith.constant 32 : index
        %get3A_962 = tpu.vector_load %arg10[%get3A_959, %get3A_960, %get3A_961] {strides = array<i32>} : memref<2x80x64xf32, #tpu.memory_space<vmem>>, vector<1x1x16xf32>,
        %get3A_963 = vector.shape_cast %get3A_962 : vector<1x1x16xf32> to vector<16xf32>
        %mul3A_964 = vector.broadcast %squeeze3A_928 : f32 to vector<16xf32>
        %mul3A_965 = arith.mulf %get3A_963, %mul3A_964 : vector<16xf32>
        %swap3A_966 = arith.index_cast %rem3A_68 : i32 to index
        %swap3A_967 = arith.index_cast %add3A_932 : i32 to index
        %swap3A_968 = arith.constant 32 : index
        %swap3A_969 = tpu.vector_load %arg10[%swap3A_966, %swap3A_967, %swap3A_968] {strides = array<i32>} : memref<2x80x64xf32, #tpu.memory_space<vmem>>, vector<1x1x16xf32>,
        %swap3A_970 = vector.shape_cast %swap3A_969 : vector<1x1x16xf32> to vector<16xf32>
        %swap3A_971 = vector.shape_cast %mul3A_965 : vector<16xf32> to vector<1x1x16xf32>
        tpu.vector_store %arg10[%swap3A_966, %swap3A_967, %swap3A_968], %swap3A_971 {strides = array<i32>} : memref<2x80x64xf32, #tpu.memory_space<vmem>>, vector<1x1x16xf32>,
        %get3A_972 = arith.index_cast %rem3A_68 : i32 to index
        %get3A_973 = arith.index_cast %add3A_932 : i32 to index
        %get3A_974 = arith.constant 48 : index
        %get3A_975 = tpu.vector_load %arg10[%get3A_972, %get3A_973, %get3A_974] {strides = array<i32>} : memref<2x80x64xf32, #tpu.memory_space<vmem>>, vector<1x1x16xf32>,
        %get3A_976 = vector.shape_cast %get3A_975 : vector<1x1x16xf32> to vector<16xf32>
        %mul3A_977 = vector.broadcast %squeeze3A_928 : f32 to vector<16xf32>
        %mul3A_978 = arith.mulf %get3A_976, %mul3A_977 : vector<16xf32>
        %swap3A_979 = arith.index_cast %rem3A_68 : i32 to index
        %swap3A_980 = arith.index_cast %add3A_932 : i32 to index
        %swap3A_981 = arith.constant 48 : index
        %swap3A_982 = tpu.vector_load %arg10[%swap3A_979, %swap3A_980, %swap3A_981] {strides = array<i32>} : memref<2x80x64xf32, #tpu.memory_space<vmem>>, vector<1x1x16xf32>,
        %swap3A_983 = vector.shape_cast %swap3A_982 : vector<1x1x16xf32> to vector<16xf32>
        %swap3A_984 = vector.shape_cast %mul3A_978 : vector<16xf32> to vector<1x1x16xf32>
        tpu.vector_store %arg10[%swap3A_979, %swap3A_980, %swap3A_981], %swap3A_984 {strides = array<i32>} : memref<2x80x64xf32, #tpu.memory_space<vmem>>, vector<1x1x16xf32>,
        %slice3A_985 = vector.extract_strided_slice %get3A_117 {offsets = [15], sizes = [1], strides = [1]} : vector<16xf32> to vector<1xf32>
        %squeeze3A_986 = vector.extract %slice3A_985[0] : f32 from vector<1xf32>
        %mul3A_987 = arith.constant 16 : i32
        %mul3A_988 = arith.muli %scan3A_112, %mul3A_987 : i32
        %add3A_989 = arith.constant 15 : i32
        %add3A_990 = arith.addi %mul3A_988, %add3A_989 : i32
        %get3A_991 = arith.index_cast %rem3A_68 : i32 to index
        %get3A_992 = arith.index_cast %add3A_990 : i32 to index
        %get3A_993 = arith.constant 0 : index
        %get3A_994 = tpu.vector_load %arg10[%get3A_991, %get3A_992, %get3A_993] {strides = array<i32>} : memref<2x80x64xf32, #tpu.memory_space<vmem>>, vector<1x1x16xf32>,
        %get3A_995 = vector.shape_cast %get3A_994 : vector<1x1x16xf32> to vector<16xf32>
        %mul3A_996 = vector.broadcast %squeeze3A_986 : f32 to vector<16xf32>
        %mul3A_997 = arith.mulf %get3A_995, %mul3A_996 : vector<16xf32>
        %swap3A_998 = arith.index_cast %rem3A_68 : i32 to index
        %swap3A_999 = arith.index_cast %add3A_990 : i32 to index
        %swap3A_1000 = arith.constant 0 : index
        %swap3A_1001 = tpu.vector_load %arg10[%swap3A_998, %swap3A_999, %swap3A_1000] {strides = array<i32>} : memref<2x80x64xf32, #tpu.memory_space<vmem>>, vector<1x1x16xf32>,
        %swap3A_1002 = vector.shape_cast %swap3A_1001 : vector<1x1x16xf32> to vector<16xf32>
        %swap3A_1003 = vector.shape_cast %mul3A_997 : vector<16xf32> to vector<1x1x16xf32>
        tpu.vector_store %arg10[%swap3A_998, %swap3A_999, %swap3A_1000], %swap3A_1003 {strides = array<i32>} : memref<2x80x64xf32, #tpu.memory_space<vmem>>, vector<1x1x16xf32>,
        %get3A_1004 = arith.index_cast %rem3A_68 : i32 to index
        %get3A_1005 = arith.index_cast %add3A_990 : i32 to index
        %get3A_1006 = arith.constant 16 : index
        %get3A_1007 = tpu.vector_load %arg10[%get3A_1004, %get3A_1005, %get3A_1006] {strides = array<i32>} : memref<2x80x64xf32, #tpu.memory_space<vmem>>, vector<1x1x16xf32>,
        %get3A_1008 = vector.shape_cast %get3A_1007 : vector<1x1x16xf32> to vector<16xf32>
        %mul3A_1009 = vector.broadcast %squeeze3A_986 : f32 to vector<16xf32>
        %mul3A_1010 = arith.mulf %get3A_1008, %mul3A_1009 : vector<16xf32>
        %swap3A_1011 = arith.index_cast %rem3A_68 : i32 to index
        %swap3A_1012 = arith.index_cast %add3A_990 : i32 to index
        %swap3A_1013 = arith.constant 16 : index
        %swap3A_1014 = tpu.vector_load %arg10[%swap3A_1011, %swap3A_1012, %swap3A_1013] {strides = array<i32>} : memref<2x80x64xf32, #tpu.memory_space<vmem>>, vector<1x1x16xf32>,
        %swap3A_1015 = vector.shape_cast %swap3A_1014 : vector<1x1x16xf32> to vector<16xf32>
        %swap3A_1016 = vector.shape_cast %mul3A_1010 : vector<16xf32> to vector<1x1x16xf32>
        tpu.vector_store %arg10[%swap3A_1011, %swap3A_1012, %swap3A_1013], %swap3A_1016 {strides = array<i32>} : memref<2x80x64xf32, #tpu.memory_space<vmem>>, vector<1x1x16xf32>,
        %get3A_1017 = arith.index_cast %rem3A_68 : i32 to index
        %get3A_1018 = arith.index_cast %add3A_990 : i32 to index
        %get3A_1019 = arith.constant 32 : index
        %get3A_1020 = tpu.vector_load %arg10[%get3A_1017, %get3A_1018, %get3A_1019] {strides = array<i32>} : memref<2x80x64xf32, #tpu.memory_space<vmem>>, vector<1x1x16xf32>,
        %get3A_1021 = vector.shape_cast %get3A_1020 : vector<1x1x16xf32> to vector<16xf32>
        %mul3A_1022 = vector.broadcast %squeeze3A_986 : f32 to vector<16xf32>
        %mul3A_1023 = arith.mulf %get3A_1021, %mul3A_1022 : vector<16xf32>
        %swap3A_1024 = arith.index_cast %rem3A_68 : i32 to index
        %swap3A_1025 = arith.index_cast %add3A_990 : i32 to index
        %swap3A_1026 = arith.constant 32 : index
        %swap3A_1027 = tpu.vector_load %arg10[%swap3A_1024, %swap3A_1025, %swap3A_1026] {strides = array<i32>} : memref<2x80x64xf32, #tpu.memory_space<vmem>>, vector<1x1x16xf32>,
        %swap3A_1028 = vector.shape_cast %swap3A_1027 : vector<1x1x16xf32> to vector<16xf32>
        %swap3A_1029 = vector.shape_cast %mul3A_1023 : vector<16xf32> to vector<1x1x16xf32>
        tpu.vector_store %arg10[%swap3A_1024, %swap3A_1025, %swap3A_1026], %swap3A_1029 {strides = array<i32>} : memref<2x80x64xf32, #tpu.memory_space<vmem>>, vector<1x1x16xf32>,
        %get3A_1030 = arith.index_cast %rem3A_68 : i32 to index
        %get3A_1031 = arith.index_cast %add3A_990 : i32 to index
        %get3A_1032 = arith.constant 48 : index
        %get3A_1033 = tpu.vector_load %arg10[%get3A_1030, %get3A_1031, %get3A_1032] {strides = array<i32>} : memref<2x80x64xf32, #tpu.memory_space<vmem>>, vector<1x1x16xf32>,
        %get3A_1034 = vector.shape_cast %get3A_1033 : vector<1x1x16xf32> to vector<16xf32>
        %mul3A_1035 = vector.broadcast %squeeze3A_986 : f32 to vector<16xf32>
        %mul3A_1036 = arith.mulf %get3A_1034, %mul3A_1035 : vector<16xf32>
        %swap3A_1037 = arith.index_cast %rem3A_68 : i32 to index
        %swap3A_1038 = arith.index_cast %add3A_990 : i32 to index
        %swap3A_1039 = arith.constant 48 : index
        %swap3A_1040 = tpu.vector_load %arg10[%swap3A_1037, %swap3A_1038, %swap3A_1039] {strides = array<i32>} : memref<2x80x64xf32, #tpu.memory_space<vmem>>, vector<1x1x16xf32>,
        %swap3A_1041 = vector.shape_cast %swap3A_1040 : vector<1x1x16xf32> to vector<16xf32>
        %swap3A_1042 = vector.shape_cast %mul3A_1036 : vector<16xf32> to vector<1x1x16xf32>
        tpu.vector_store %arg10[%swap3A_1037, %swap3A_1038, %swap3A_1039], %swap3A_1042 {strides = array<i32>} : memref<2x80x64xf32, #tpu.memory_space<vmem>>, vector<1x1x16xf32>,
      }
      %scan3A_99 = arith.constant 5 : i32
      %dma_start3A_100 = arith.constant 0 : i32
      %dma_start3A_101 = arith.constant 0 : i32
      %dma_start3A_102 = tpu.memref_slice %arg10[%rem3A_68, %dma_start3A_100, %dma_start3A_101] : memref<2x80x64xf32, #tpu.memory_space<vmem>> -> memref<1x80x64xf32, #tpu.memory_space<vmem>>
      %dma_start3A_103 = tpu.memref_squeeze %dma_start3A_102 : memref<1x80x64xf32, #tpu.memory_space<vmem>> -> memref<80x64xf32, #tpu.memory_space<vmem>>
      %dma_start3A_104 = arith.constant 0 : i32
      %dma_start3A_105 = tpu.memref_slice %arg7[%scan3A_67, %dma_start3A_104] : memref<250x80xi32, #tpu.memory_space<vmem>> -> memref<1x80xi32, #tpu.memory_space<vmem>>
      %dma_start3A_106 = tpu.memref_squeeze %dma_start3A_105 : memref<1x80xi32, #tpu.memory_space<vmem>> -> memref<80xi32, #tpu.memory_space<vmem>>
      %dma_start3A_107 = arith.constant 0 : i32
      %dma_start3A_108 = arith.constant 0 : i32
      %dma_start3A_109 = tpu.memref_slice %arg12[%dma_start3A_107, %dma_start3A_108] : memref<10240x64xf32, #tpu.memory_space<vmem_shared>> -> memref<10240x64xf32, #tpu.memory_space<vmem_shared>>
      %dma_start3A_110 = tpu.memref_slice %arg14[%rem3A_68] : memref<2x!tpu.dma_semaphore, #tpu.memory_space<semaphore_mem>> -> memref<1x!tpu.dma_semaphore, #tpu.memory_space<semaphore_mem>>
      %dma_start3A_111 = tpu.memref_squeeze %dma_start3A_110 : memref<1x!tpu.dma_semaphore, #tpu.memory_space<semaphore_mem>> -> memref<!tpu.dma_semaphore, #tpu.memory_space<semaphore_mem>>
      tpu.enqueue_indirect_dma source(%dma_start3A_103 : memref<80x64xf32, #tpu.memory_space<vmem>>) target(%dma_start3A_109 : memref<10240x64xf32, #tpu.memory_space<vmem_shared>>) offsets(%dma_start3A_106 : memref<80xi32, #tpu.memory_space<vmem>>) semaphore(%dma_start3A_111 : memref<!tpu.dma_semaphore, #tpu.memory_space<semaphore_mem>>) {add = true}
    }
    %scan3A_47 = arith.constant 250 : i32
    %dma_wait3A = arith.constant 1 : i32
    %dma_wait3A_48 = arith.constant 249 : i32
    %dma_wait3A_49 = arith.constant 1 : i32
    %dma_wait3A_50 = arith.constant 0 : i32
    %dma_wait3A_51 = arith.constant 0 : i32
    %dma_wait3A_52 = tpu.memref_slice %arg10[%dma_wait3A, %dma_wait3A_50, %dma_wait3A_51] : memref<2x80x64xf32, #tpu.memory_space<vmem>> -> memref<1x80x64xf32, #tpu.memory_space<vmem>>
    %dma_wait3A_53 = tpu.memref_squeeze %dma_wait3A_52 : memref<1x80x64xf32, #tpu.memory_space<vmem>> -> memref<80x64xf32, #tpu.memory_space<vmem>>
    %dma_wait3A_54 = arith.constant 0 : i32
    %dma_wait3A_55 = tpu.memref_slice %arg7[%dma_wait3A_48, %dma_wait3A_54] : memref<250x80xi32, #tpu.memory_space<vmem>> -> memref<1x80xi32, #tpu.memory_space<vmem>>
    %dma_wait3A_56 = tpu.memref_squeeze %dma_wait3A_55 : memref<1x80xi32, #tpu.memory_space<vmem>> -> memref<80xi32, #tpu.memory_space<vmem>>
    %dma_wait3A_57 = arith.constant 0 : i32
    %dma_wait3A_58 = arith.constant 0 : i32
    %dma_wait3A_59 = tpu.memref_slice %arg12[%dma_wait3A_57, %dma_wait3A_58] : memref<10240x64xf32, #tpu.memory_space<vmem_shared>> -> memref<10240x64xf32, #tpu.memory_space<vmem_shared>>
    %dma_wait3A_60 = tpu.memref_slice %arg14[%dma_wait3A_49] : memref<2x!tpu.dma_semaphore, #tpu.memory_space<semaphore_mem>> -> memref<1x!tpu.dma_semaphore, #tpu.memory_space<semaphore_mem>>
    %dma_wait3A_61 = tpu.memref_squeeze %dma_wait3A_60 : memref<1x!tpu.dma_semaphore, #tpu.memory_space<semaphore_mem>> -> memref<!tpu.dma_semaphore, #tpu.memory_space<semaphore_mem>>
    tpu.wait_indirect_dma semaphore(%dma_wait3A_61 : memref<!tpu.dma_semaphore, #tpu.memory_space<semaphore_mem>>) src(%dma_wait3A_53 : memref<80x64xf32, #tpu.memory_space<vmem>>) dst(%dma_wait3A_59 : memref<10240x64xf32, #tpu.memory_space<vmem_shared>>)
    %barrier3A_62 = arith.constant 0 : index
    tpu.barrier barrier_id(%barrier3A_62)
    %mul3A_63 = arith.constant 640 : i32
    %mul3A_64 = arith.muli %arg1, %mul3A_63 : i32
    %mul3A_65 = arith.constant 640 : i32
    %mul3A_66 = arith.muli %arg1, %mul3A_65 : i32
    "tpu.region"() ({
      %run_scoped3A = tpu.sem_alloc : memref<!tpu.dma_semaphore, #tpu.memory_space<semaphore_mem>>
      %dma_start3A_67 = arith.constant 0 : i32
      %dma_start3A_68 = tpu.memref_slice %arg6[%arg0, %mul3A_66, %dma_start3A_67] : memref<2x10240x64xf32, #tpu.memory_space<hbm>> -> memref<1x640x64xf32, #tpu.memory_space<hbm>>
      %dma_start3A_69 = tpu.memref_squeeze %dma_start3A_68 : memref<1x640x64xf32, #tpu.memory_space<hbm>> -> memref<640x64xf32, #tpu.memory_space<hbm>>
      %dma_start3A_70 = arith.constant 0 : i32
      %dma_start3A_71 = tpu.memref_slice %arg12[%mul3A_64, %dma_start3A_70] : memref<10240x64xf32, #tpu.memory_space<vmem_shared>> -> memref<640x64xf32, #tpu.memory_space<vmem_shared>>
      tpu.enqueue_dma source(%dma_start3A_71 : memref<640x64xf32, #tpu.memory_space<vmem_shared>>) target(%dma_start3A_69 : memref<640x64xf32, #tpu.memory_space<hbm>>) target_semaphore(%run_scoped3A : memref<!tpu.dma_semaphore, #tpu.memory_space<semaphore_mem>>)
      %dma_wait3A_72 = arith.constant 0 : i32
      %dma_wait3A_73 = tpu.memref_slice %arg6[%arg0, %mul3A_66, %dma_wait3A_72] : memref<2x10240x64xf32, #tpu.memory_space<hbm>> -> memref<1x640x64xf32, #tpu.memory_space<hbm>>
      %dma_wait3A_74 = tpu.memref_squeeze %dma_wait3A_73 : memref<1x640x64xf32, #tpu.memory_space<hbm>> -> memref<640x64xf32, #tpu.memory_space<hbm>>
      %dma_wait3A_75 = arith.constant 0 : i32
      %dma_wait3A_76 = tpu.memref_slice %arg12[%mul3A_64, %dma_wait3A_75] : memref<10240x64xf32, #tpu.memory_space<vmem_shared>> -> memref<640x64xf32, #tpu.memory_space<vmem_shared>>
      tpu.wait_dma2 semaphore(%run_scoped3A : memref<!tpu.dma_semaphore, #tpu.memory_space<semaphore_mem>>) src(%dma_wait3A_76 : memref<640x64xf32, #tpu.memory_space<vmem_shared>>) dst(%dma_wait3A_74 : memref<640x64xf32, #tpu.memory_space<hbm>>)
      tpu.yield
    }) : () -> ()
    return
  }
}

module attributes {stable_mosaic.version = 14 : i64} {
  func.func @body(%arg0: i32, %arg1: memref<1024x64xf32, #tpu.memory_space<vmem>>, %arg2: memref<1024x64xf32, #tpu.memory_space<vmem>>, %arg3: memref<1024x128xf32, #tpu.memory_space<vmem>>) attributes {dimension_semantics = [#tpu.dimension_semantics<arbitrary>], iteration_bounds = array<i64: 10>, scalar_prefetch = 0 : i64, scratch_operands = 0 : i64, tpu.core_type = #tpu.core_type<tc>, window_params = [{transform_indices = @transform_0, window_bounds = array<i64: 1024, 64>}, {transform_indices = @transform_1, window_bounds = array<i64: 1024, 64>}, {transform_indices = @transform_2, window_bounds = array<i64: 1024, 128>}]} {
    %get3A = arith.constant 0 : index
    %get3A_0 = arith.constant 0 : index
    %get3A_1 = vector.load %arg1[%get3A, %get3A_0] : memref<1024x64xf32, #tpu.memory_space<vmem>>, vector<1024x64xf32>
    %swap3A = arith.constant 0 : index
    %swap3A_2 = arith.constant 0 : index
    %swap3A_3 = vector.load %arg3[%swap3A, %swap3A_2] : memref<1024x128xf32, #tpu.memory_space<vmem>>, vector<1024x64xf32>
    tpu.vector_store %arg3[%swap3A, %swap3A_2], %get3A_1 {strides = array<i32>} : memref<1024x128xf32, #tpu.memory_space<vmem>>, vector<1024x64xf32>,
    %get3A_4 = arith.constant 0 : index
    %get3A_5 = arith.constant 0 : index
    %get3A_6 = vector.load %arg2[%get3A_4, %get3A_5] : memref<1024x64xf32, #tpu.memory_space<vmem>>, vector<1024x64xf32>
    %swap3A_7 = arith.constant 0 : index
    %swap3A_8 = arith.constant 64 : index
    %swap3A_9 = vector.load %arg3[%swap3A_7, %swap3A_8] : memref<1024x128xf32, #tpu.memory_space<vmem>>, vector<1024x64xf32>
    tpu.vector_store %arg3[%swap3A_7, %swap3A_8], %get3A_6 {strides = array<i32>} : memref<1024x128xf32, #tpu.memory_space<vmem>>, vector<1024x64xf32>,
    return
  }
  func.func @transform_0(%arg0: i32) -> (i32, i32) {
    %c0_i32 = arith.constant 0 : i32
    %c0_i32_0 = arith.constant 0 : i32
    return %arg0, %c0_i32 : i32, i32
  }
  func.func @transform_1(%arg0: i32) -> (i32, i32) {
    %c0_i32 = arith.constant 0 : i32
    %c0_i32_0 = arith.constant 0 : i32
    return %arg0, %c0_i32 : i32, i32
  }
  func.func @transform_2(%arg0: i32) -> (i32, i32) {
    %c0_i32 = arith.constant 0 : i32
    %c0_i32_0 = arith.constant 0 : i32
    return %arg0, %c0_i32 : i32, i32
  }
}

</mosaic_0001>

<sc_bundles>
// kernel: kernel.4.cloned.1.call-start
scs
__scs_entry_jumppad:
0x0: {  	(pc) =	sbr.rel $0x88, $3  }
0x1: {  	(tag) =	ssettag $0x0;
	lr =	simm.s32 $0x1  }
0x2: {  	[smem:$0x3F9E] =	sst lr;
	_ =	strace $0xD0000000  }
0x3: {  	_ = 	snop  }
0x4: {  	_ = 	snop  }
0x5: {  	_ = 	snop  }
0x6: {  	_ = 	snop  }
0x7: {  	_ = 	snop  }
__scs_overlays_trampoline_lowered:
0x8: {  	[smem:$0x3FAD] =	sst s0  }
0x9: {  	[smem:$0x3FAE] =	sst s1  }
0xa: {  	[smem:$0x3FAF] =	sst s2  }
0xb: {  	[smem:$0x3FB0] =	sst s3  }
0xc: {  	[smem:$0x3FB1] =	sst s4  }
0xd: {  	[smem:$0x3FB2] =	sst s5  }
0xe: {  	[smem:$0x3FB3] =	sst s6  }
0xf: {  	[smem:$0x3FB4] =	sst s7  }
0x10: {  	[smem:$0x3FB5] =	sst s8  }
0x11: {  	[smem:$0x3FB6] =	sst s9;
	s0 =	simm.s32 @!p0 $0x0  }
0x12: {  	s1 =	sld [smem:$0x3F9C];
	s0 =	simm.s32 @p0 $0x1  }
0x13: {  	[smem:$0x3FB7] =	sst s0;
	s0 =	simm.s32 @!p1 $0x0  }
0x14: {  	s2 =	sld [smem:$0x3F9B];
	s0 =	simm.s32 @p1 $0x1  }
0x15: {  	[smem:$0x3FB8] =	sst s0;
	s0 =	simm.s32 @!p2 $0x0  }
0x16: {  	s3 =	sld [smem:$0x3FDB];
	s0 =	simm.s32 @p2 $0x1  }
0x17: {  	s4 =	simm.s32 $0x1BF5;
	[smem:$0x3FBA] =	sst s0  }
0x18: {  	s0 =	sld [smem:$0x3F9D];
	_ =	swait.ge [sflag:s4], $0x0  }
0x19: {  	s7 =	sld [smem:$0x3F9E]  }
0x1a: {  	s8 =	sadd.s32 $0xFFFFE003, lr  }
0x1b: {  	s9 =	sadd.s32 $0xFFFFFEF7, lr;
	s5 =	simm.s32 $0xFFFFFFFF;
	p2 =	slt.u32 s8, $0xFFFFF086  }
0x1c: {  	p1 =	slt.u32 s9, $0xF7A;
	s5 =	simm.s32 @!p2 $0x0  }
0x1d: {  	s5 =	simm.s32 @p1 $0x1;
	p0 =	seq.s32 s7, s2  }
0x1e: {  	s7 =	smul.u32 @!p0 $0xF7A, s2;
	p2 =	seq.s32 @!p0 s5, $0x0  }
0x1f: {  	s9 =	smul.u32 $0xF7A, s1;
	s8 =	simm.s32 @!p0 $0x1BF5;
	p2 =	por !p2, p0  }
0x20: {  	[sflag:s8] =	ssyncset.s32 @!p0 $0xFFFFF086;
	s6 =	sadd.s32 @!p0 s3, s7;
	s7 =	simm.s32 @!p0 $0x108  }
0x21: {  	s3 =	sadd.s32 s3, s9;
	s6 =	sadd.s32 @!p0 $0x88, s6;
	s7 =	simm.s32 @p2 $0x1082  }
0x22: {  	[simem:s7], [sflag:s8] =	dma.local @!p0 [hbm:s6], $0xF7A  }
0x23: {  	s9 =	sor.u32 $0xD0000000, s2;
	s6 =	simm.s32 $0x108;
	_ =	swait.ge @!p0 [sflag:s8], $0x0  }
0x24: {  	s3 =	sadd.s32 $0x88, s3;
	s6 =	simm.s32 @!p1 $0x1082;
	[sflag:s4] =	ssyncset.s32 $0xFFFFF086  }
0x25: {  	[simem:s6], [sflag:s4] =	dma.local [hbm:s3], $0xF7A  }
0x26: {  	[smem:$0x3F9E] =	sst s1;
	(tag) =	ssettag s2;
	_ =	strace s9  }
0x27: {  	s1 =	sld [smem:$0x3FAE]  }
0x28: {  	s2 =	sld [smem:$0x3FAF]  }
0x29: {  	s4 =	sld [smem:$0x3FB1]  }
0x2a: {  	p0 =	seq.s32 s5, $0x0;
	s5 =	sld [smem:$0x3FB2]  }
0x2b: {  	s6 =	sld [smem:$0x3FB3]  }
0x2c: {  	s7 =	sld [smem:$0x3FB4]  }
0x2d: {  	s3 =	simm.s32 $0x108;
	s8 =	sld [smem:$0x3FB5]  }
0x2e: {  	s3 =	simm.s32 @!p0 $0x1082;
	s9 =	sld [smem:$0x3FB6]  }
0x2f: {  	lr =	sadd.s32 s0, s3;
	s0 =	sld [smem:$0x3FAD]  }
0x30: {  	s3 =	sld [smem:$0x3FB0]  }
0x31: {  	[smem:$0x3FB9] =	sst s10  }
0x32: {  	s10 =	sld [smem:$0x3FB7];
	_ =	sdelay $0x3  }
0x33: {  	p0 =	seq.s32 s10, $0x1;
	s10 =	sld [smem:$0x3FB9];
	_ =	sdelay $0x3  }
0x34: {  	[smem:$0x3FB9] =	sst s10  }
0x35: {  	s10 =	sld [smem:$0x3FB8];
	_ =	sdelay $0x3  }
0x36: {  	p1 =	seq.s32 s10, $0x1;
	s10 =	sld [smem:$0x3FB9];
	_ =	sdelay $0x3  }
0x37: {  	[smem:$0x3FB9] =	sst s10  }
0x38: {  	s10 =	sld [smem:$0x3FBA]  }
0x39: {  	_ = 	snop;
	(pc) =	sbr.ind lr, $3  }
0x3a: {  	_ = 	snop  }
0x3b: {  	_ = 	snop  }
0x3c: {  	p2 =	seq.s32 s10, $0x1;
	s10 =	sld [smem:$0x3FB9]  }
0x3d: {  	_ =	shalt  }
0x3e: {  	_ =	shalt  }
0x3f: {  	_ =	shalt  }
0x40: {  	_ =	shalt  }
0x41: {  	_ =	shalt  }
0x42: {  	_ =	shalt  }
0x43: {  	_ =	shalt  }
0x44: {  	_ =	shalt  }
0x45: {  	_ =	shalt  }
0x46: {  	_ =	shalt  }
0x47: {  	_ =	shalt  }
0x48: {  	_ =	shalt  }
0x49: {  	_ =	shalt  }
0x4a: {  	_ =	shalt  }
0x4b: {  	_ =	shalt  }
0x4c: {  	_ =	shalt  }
0x4d: {  	_ =	shalt  }
0x4e: {  	_ =	shalt  }
0x4f: {  	_ =	shalt  }
0x50: {  	_ =	shalt  }
0x51: {  	_ =	shalt  }
0x52: {  	_ =	shalt  }
0x53: {  	_ =	shalt  }
0x54: {  	_ =	shalt  }
0x55: {  	_ =	shalt  }
0x56: {  	_ =	shalt  }
0x57: {  	_ =	shalt  }
0x58: {  	_ =	shalt  }
0x59: {  	_ =	shalt  }
0x5a: {  	_ =	shalt  }
0x5b: {  	_ =	shalt  }
0x5c: {  	_ =	shalt  }
0x5d: {  	_ =	shalt  }
0x5e: {  	_ =	shalt  }
0x5f: {  	_ =	shalt  }
0x60: {  	_ =	shalt  }
0x61: {  	_ =	shalt  }
0x62: {  	_ =	shalt  }
0x63: {  	_ =	shalt  }
0x64: {  	_ =	shalt  }
0x65: {  	_ =	shalt  }
0x66: {  	_ =	shalt  }
0x67: {  	_ =	shalt  }
0x68: {  	_ =	shalt  }
0x69: {  	_ =	shalt  }
0x6a: {  	_ =	shalt  }
0x6b: {  	_ =	shalt  }
0x6c: {  	_ =	shalt  }
0x6d: {  	_ =	shalt  }
0x6e: {  	_ =	shalt  }
0x6f: {  	_ =	shalt  }
0x70: {  	_ =	shalt  }
0x71: {  	_ =	shalt  }
0x72: {  	_ =	shalt  }
0x73: {  	_ =	shalt  }
0x74: {  	_ =	shalt  }
0x75: {  	_ =	shalt  }
0x76: {  	_ =	shalt  }
0x77: {  	_ =	shalt  }
0x78: {  	_ =	shalt  }
0x79: {  	_ =	shalt  }
0x7a: {  	_ =	shalt  }
0x7b: {  	_ =	shalt  }
0x7c: {  	_ =	shalt  }
0x7d: {  	_ =	shalt  }
0x7e: {  	_ =	shalt  }
0x7f: {  	_ =	shalt  }
0x80: {  	_ =	shalt  }
0x81: {  	_ =	shalt  }
0x82: {  	_ =	shalt  }
0x83: {  	_ =	shalt  }
0x84: {  	_ =	shalt  }
0x85: {  	_ =	shalt  }
0x86: {  	_ =	shalt  }
0x87: {  	_ =	shalt  }
.Lfunc_end0:
.L_simem_size_0:
called_computation_lowered:
.L_overlay_start_0:
0x88: {  	s2 =	sld [smem:$0x3FD9]  }
0x89: {  	s3 =	sld [smem:$0x3FFE];
	_ =	sdelay $0x1  }
0x8a: {  	s1 =	srdreg.scid  }
0x8b: {  	s0 =	sand.u32 $0x1, s1  }
0x8c: {  	s17 =	sshll.u32 s0, $0xA;
	s2 =	sadd.s32 s3, s2  }
0x8d: {  	s2 =	sadd.s32 s2, s17  }
0x8e: {  	[smem:$0x3FC5] =	sst s2  }
0x8f: {  	_ = 	snop  }
0x90: {  	s2 =	sld [smem:$0x3FC8]  }
0x91: {  	s18 =	sld [smem:$0x3FD0];
	(tm) =	ssettm $0x1  }
0x92: {  	s4 =	sld [smem:$0x3FFB];
	_ =	sdelay $0x3  }
0x93: {  	_ =	strace s4  }
0x94: {  	s4 =	sld [smem:$0x3FFC];
	_ =	sdelay $0x3  }
0x95: {  	_ =	strace s4  }
0x96: {  	s4 =	sld [smem:$0x3FFD];
	_ =	sdelay $0x3  }
0x97: {  	_ =	strace s4  }
0x98: {  	_ =	strace $0x8FFFFFFF  }
0x99: {  	s19 =	sld [smem:$0x3FDB];
	_ =	sdelay $0x1  }
0x9a: {  	s5 =	simm.s32 $_scs_section_size  }
0x9b: {  	s6 =	simm.s32 $_size__tile_overlayer_lowered;
	s7 =	simm.s32 $_tile_overlayer_lowered  }
0x9c: {  	s22 =	simm.s32 $0x1BFF;
	s21 =	sshll.u32 s7, $0x1;
	s4 =	sadd.s32 s5, s19  }
0x9d: {  	s8 =	simm.s32 $0x0;
	s20 =	sshll.u32 s6, $0x1;
	s6 =	sadd.s32 s21, s4  }
0x9e: {  	[timem:s8], [sflag:s22] =	dma.local [hbm:s6], s20  }
0x9f: {  	_ =	swait.ge [sflag:s22], s20  }
0xa0: {  	s5 =	ssub.s32 $0x0, s20;
	[sflag:s22] =	ssyncset.done $0x0  }
0xa1: {  	[sflag:s22] =	ssyncadd.s32 s5;
	_ =	sdelay $0x1  }
0xa2: {  	s23 =	simm.s32 $0x1B8B  }
0xa3: {  	_ =	swait.ge [sflag:s23], $0x1  }
0xa4: {  	[sflag:s23] =	ssyncset.done $0x0  }
0xa5: {  	s25 =	simm.s32 $0x1B8E;
	s24 =	sld [smem:$0x3FFE];
	[sflag:s23] =	ssyncadd.s32 $0xFFFFFFFF  }
0xa6: {  	s26 =	simm.s32 $execute0_lowered;
	[smem:$0x3FD2] =	sst s25  }
0xa7: {  	s6 =	sshll.u32 s26, $0x1;
	_ =	strace $0x80000046;
	[dreg:$0x1] =	wrdreg $0xFFFFFFFF  }
0xa8: {  	s28 =	simm.s32 $_size_execute0_lowered;
	s4 =	sadd.s32 s4, s6;
	[dreg:$0x0] =	wrdreg $0x0  }
0xa9: {  	s6 =	sshll.u32 s28, $0x1;
	[dreg:$0x2] =	wrdreg s4  }
0xaa: {  	[dreg:$0x3] =	wrdreg s6  }
0xab: {  	[dreg:$0x4] =	wrdreg $0xC0  }
0xac: {  	_ =	task [dreg:s8], $0x5FFFF  }
0xad: {  	[dreg:$0x1] =	wrdreg $0xFFFFFFFF  }
0xae: {  	[dreg:$0x0] =	wrdreg $0x60  }
0xaf: {  	[dreg:$0x2] =	wrdreg s24  }
0xb0: {  	[dreg:$0x3] =	wrdreg s2  }
0xb1: {  	[dreg:$0x4] =	wrdreg s18  }
0xb2: {  	[dreg:$0x5] =	wrdreg $0x132600  }
0xb3: {  	[dreg:$0x6] =	wrdreg $0x9  }
0xb4: {  	_ =	task.clear_ibuf [dreg:s8], $0x7FFFF;
	_ =	strace $0x90000046  }
0xb5: {  	s29 =	simm.s32 $0x9;
	_ =	strace $0x80000048  }
0xb6: {  	_ =	swait.ge [sflag:s29], $0x1  }
0xb7: {  	[sflag:s29] =	ssyncadd.s32 $0xFFFFFFFF  }
0xb8: {  	_ =	strace $0x90000048  }
0xb9: {  	_ =	sfence  }
0xba: {  	s30 =	sld [smem:$0x0];
	_ =	sdelay $0x2  }
0xbb: {  	s31 =	sshll.u32 s1, $0xD;
	s1 =	sshrl.u32 s1, $0x2  }
0xbc: {  	s3 =	sand.u32 $0x4000, s31;
	s1 =	sadd.s32 s1, s30  }
0xbd: {  	s0 =	sor.u32 s3, s0;
	s1 =	sshll.u32 s1, $0x11  }
0xbe: {  	s0 =	sor.u32 s1, s0  }
0xbf: {  	s0 =	sadd.s32 $0x8F2B, s0  }
0xc0: {  	[sflag:s0] =	ssyncadd.remote.s32 $0x1  }
0xc1: {  	_ =	sfence.sel $0xFFFF  }
0xc2: {  	[dreg:$0x0] =	wrdreg $0xFFFFFFFF;
	(pc) =	sbr.abs _section_cstart, $3  }
0xc3: {  	[dreg:$0x1] =	wrdreg $0xFFFFFFFF  }
0xc4: {  	_ =	task.clear_ibuf [dreg:s8], $0x2FFFF;
	_ =	strace $0x9FFFFFFF  }
0xc5: {  	(tm) =	ssettm $0x7FFFFFFF  }
tec
execute0_lowered:
.L_overlay_start_1:
0x0: {  	(tag) =	ssettag $0x1  }
0x1: {  	s4 =	rddreg [dreg:$0x0]  }
0x2: {  	s6 =	rddreg [dreg:$0x1]  }
0x3: {  	s12 =	rddreg [dreg:$0x2]  }
0x4: {  	s2 =	rddreg [dreg:$0x3]  }
0x5: {  	s0 =	rddreg [dreg:$0x4]  }
0x6: {  	s5 =	srdreg.scid;
	s1 =	stileid.u32  }
0x7: {  	s3 =	simm.s32 $0x0;
	s16 =	simm.s32 $0x4E20;
	s17 =	simm.s32 $0x9C40  }
0x8: {  	s18 =	simm.s32 $0x11260;
	s19 =	simm.s32 $0x50;
	s7 =	smul.u32 $0xA000, s1  }
0x9: {  	s20 =	simm.s32 $0xEA60;
	s21 =	simm.s32 $0x4;
	s10 =	smul.u32 $0x9C4, s1  }
0xa: {  	s22 =	simm.s32 $0x0;
	s8 =	sand.u32 $0x1, s5;
	s13 =	smul.u32 $0x28000, s1  }
0xb: {  	[smem:$0x7FF] =	sst s3;
	s5 =	smul.u32 $0xA0000, s8;
	s9 =	ssub.s32 $0x2, s8  }
0xc: {  	_ =	strace $0x80000047;
	s31 =	smul.u32 $0x13880, s8;
	s11 =	sshrl.u32 s9, $0x1  }
0xd: {  	s6 =	sadd.s32 s6, s10;
	s29 =	sshrl.u32 s13, $0x2;
	s5 =	sadd.s32 s7, s5  }
0xe: {  	s15 =	ssub.s32 s9, s11;
	s7 =	sadd.s32 s7, s2;
	s30 =	sadd.s32 s29, s2  }
0xf: {  	s12 =	sadd.s32 s12, s31;
	s5 =	sshrl.u32 s5, $0x3;
	s8 =	sadd.s32 $0x2000, s30  }
0x10: {  	s9 =	sadd.s32 $0x4000, s30;
	s14 =	sadd.s32 s5, s4;
	s4 =	sadd.s32 s4, s10  }
0x11: {  	s11 =	sadd.s32 $0x8000, s30;
	s10 =	sadd.s32 $0x6000, s30;
	s5 =	sadd.s32 $0x9E00, s4  }
0x12: {  	v0 =	vimm.f32 $0.0e+00;
	s13 =	sadd.s32 $0x13C00, s14;
	s14 =	smax.u32 s15, $0x1;
	s15 =	simm.s32 $0x5  }
.LBB2_1:
0x13: {  	[tilespmem:s3], [sflag:$0x5] =	stream.linear.gather [hbm4b:s5+s3], $0x4E20, $0x38;
	[tilespmem:$0x1D260] =	vst v63  }
0x14: {  	_ =	swait.ge [sflag:s15], $0x4E20  }
0x15: {  	[sflag:s15] =	ssyncset.done $0x0  }
0x16: {  	[sflag:s15] =	ssyncadd.s32 $0xFFFFB1E0  }
0x17: {  	[tilespmem:s16], [sflag:$0x5] =	stream.linear.gather [hbm4b:s4+s3], $0x4E20, $0x38;
	[tilespmem:$0x1D260] =	vst v63  }
0x18: {  	_ =	swait.ge [sflag:s15], $0x4E20  }
0x19: {  	[sflag:s15] =	ssyncset.done $0x0  }
0x1a: {  	[sflag:s15] =	ssyncadd.s32 $0xFFFFB1E0  }
0x1b: {  	[tilespmem:s17], [sflag:$0x5] =	stream.linear.gather [hbm4b:s6+s3], $0x4E20, $0x38;
	[tilespmem:$0x1D260] =	vst v63  }
0x1c: {  	_ =	swait.ge [sflag:s15], $0x4E20  }
0x1d: {  	[sflag:s15] =	ssyncset.done $0x0  }
0x1e: {  	s24 =	simm.s32 $0x100;
	s23 =	simm.s32 $0x0;
	[sflag:s15] =	ssyncadd.s32 $0xFFFFB1E0  }
.LBB2_2:
0x1f: {  	p0 =	sne.s32 s24, $0x7F00;
	[tilespmem:s23+$0x11290] =	vst v0;
	s25 =	smov.u32 s24;
	s24 =	sadd.s32 $0x100, s24  }
.Ltmp0:
0x20: {  	[tilespmem:s23+$0x11280] =	vst v0;
	(pc) =	sbr.rel @p0 .LBB2_2-.Ltmp0, $3  }
0x21: {  	[tilespmem:s23+$0x11260] =	vst v0  }
0x22: {  	[tilespmem:s23+$0x11270] =	vst v0;
	_ =	sdelay $0x1  }
0x23: {  	s23 =	sshra.s32 s25, $0x2  }
0x24: {  	[tilespmem:s23+$0x11290] =	vst v0  }
0x25: {  	[tilespmem:s23+$0x11280] =	vst v0  }
0x26: {  	[tilespmem:s23+$0x11260] =	vst v0  }
0x27: {  	[tilespmem:s23+$0x11270] =	vst v0  }
0x28: {  	[spmem:s7] =	stream.linear.scatter [tilespmem:s18], [sflag:$0x5], $0x2000, $0x38;
	[tilespmem:$0x1D260] =	vst v63  }
0x29: {  	_ =	swait.ge [sflag:s15], $0x2000  }
0x2a: {  	[sflag:s15] =	ssyncset.done $0x0  }
0x2b: {  	[sflag:s15] =	ssyncadd.s32 $0xFFFFE000  }
0x2c: {  	[spmem:s8] =	stream.linear.scatter [tilespmem:s18], [sflag:$0x5], $0x2000, $0x38;
	[tilespmem:$0x1D260] =	vst v63  }
0x2d: {  	_ =	swait.ge [sflag:s15], $0x2000  }
0x2e: {  	[sflag:s15] =	ssyncset.done $0x0  }
0x2f: {  	[sflag:s15] =	ssyncadd.s32 $0xFFFFE000  }
0x30: {  	[spmem:s9] =	stream.linear.scatter [tilespmem:s18], [sflag:$0x5], $0x2000, $0x38;
	[tilespmem:$0x1D260] =	vst v63  }
0x31: {  	_ =	swait.ge [sflag:s15], $0x2000  }
0x32: {  	[sflag:s15] =	ssyncset.done $0x0  }
0x33: {  	[sflag:s15] =	ssyncadd.s32 $0xFFFFE000  }
0x34: {  	[spmem:s10] =	stream.linear.scatter [tilespmem:s18], [sflag:$0x5], $0x2000, $0x38;
	[tilespmem:$0x1D260] =	vst v63  }
0x35: {  	_ =	swait.ge [sflag:s15], $0x2000  }
0x36: {  	[sflag:s15] =	ssyncset.done $0x0  }
0x37: {  	[sflag:s15] =	ssyncadd.s32 $0xFFFFE000  }
0x38: {  	[spmem:s11] =	stream.linear.scatter [tilespmem:s18], [sflag:$0x5], $0x2000, $0x38;
	[tilespmem:$0x1D260] =	vst v63  }
0x39: {  	_ =	swait.ge [sflag:s15], $0x2000  }
0x3a: {  	[sflag:s15] =	ssyncset.done $0x0  }
0x3b: {  	[sflag:s15] =	ssyncadd.s32 $0xFFFFE000  }
0x3c: {  	s25 =	simm.s32 $0x0;
	[bflag:$0x0] =	sbarrier.arrive $0xFFFF  }
0x3d: {  	[tilespmem:s20], [sflag:$0x1] =	stream.indirect.gather [hbm4b:s12+s19], $0x40, s16, s19, $0xb8;
	[tilespmem:$0x1D260] =	vst v63  }
.LBB2_4:
0x3e: {  	s23 =	sand.u32 $0x1, s25;
	p0 =	seq.s32 s25, $0x0  }
0x3f: {  	s24 =	sadd.s32 $0x1, s23;
	p1 =	seq.s32 @!p0 s25, $0xF9  }
0x40: {  	_ =	swait.ge [sflag:s24], $0x1400;
	p1 =	por p0, !p1  }
.Ltmp1:
0x41: {  	s26 =	sxor.u32 $0x1, s23;
	[sflag:s24] =	ssyncset.done $0x0;
	(pc) =	sbr.rel @!p1 .LBB2_6-.Ltmp1, $4  }
0x42: {  	[sflag:s24] =	ssyncadd.s32 $0xFFFFEC00;
	s24 =	sadd.s32 @!p0 $0x3, s26  }
0x43: {  	_ =	swait.ge @!p0 [sflag:s24], $0x1400  }
0x44: {  	[sflag:s24] =	ssyncset.done @!p0 $0x0  }
0x45: {  	[sflag:s24] =	ssyncadd.s32 @!p0 $0xFFFFEC00;
	s24 =	simm.s32 @!p0 $0xFA  }
0x46: {  	s24 =	sadd.s32 @!p0 $0x1, s25  }
0x47: {  	s28 =	smul.u32 $0x5000, s26;
	s24 =	simm.s32 @p0 $0x1  }
0x48: {  	s29 =	smul.u32 $0x140, s24;
	_ =	sdelay $0x1  }
0x49: {  	s28 =	sshrl.u32 s28, $0x2;
	s29 =	sshra.s32 s29, $0x2  }
0x4a: {  	s31 =	sadd.s32 $0x1, s26;
	s28 =	sadd.s32 $0xEA60, s28;
	s29 =	sadd.s32 $0x4E20, s29  }
0x4b: {  	[tilespmem:s28], [sflag:s31] =	stream.indirect.gather [hbm4b:s12+s19], $0x40, s29, s19, $0xb8;
	[tilespmem:$0x1D260] =	vst v63  }
.LBB2_6:
0x4c: {  	s25 =	smul.u32 $0x140, s25;
	_ =	sdelay $0x1  }
0x4d: {  	s25 =	sshra.s32 s25, $0x2  }
0x4e: {  	s30 =	sadd.s32 $0x9C40, s25  }
0x4f: {  	s26 =	smul.u32 $0x5000, s23;
	v1 =	vmov s30;
	_ =	sdelay $0x1  }
0x50: {  	s28 =	sshrl.u32 s26, $0x2  }
0x51: {  	s29 =	simm.s32 $0x0;
	s26 =	sadd.s32 $0xEA60, s28;
	s28 =	sadd.s32 $0xEC60, s28  }
.LBB2_7:
0x52: {  	s30 =	sshra.s32 s29, $0x2  }
0x53: {  	v2 =	vld.idx.msk [tilespmem:v1+s30+$0x0 ss:$0x1], $0xffff;
	_ =	sdelay $0x1  }
0x54: {  	v3 =	vld [tilespmem:s28+$0xFFFFFE00];
	_ =	sdelay $0x2  }
0x55: {  	v4 =	vbroadcast v2, $0x0;
	_ =	sdelay $0x1  }
0x56: {  	v3 =	vmul.f32 v4, v3;
	_ =	sdelay $0x1  }
0x57: {  	[tilespmem:s28+$0xFFFFFE00] =	vst v3;
	v3 =	vld [tilespmem:s28+$0xFFFFFE10];
	_ =	sdelay $0x4  }
0x58: {  	v3 =	vmul.f32 v3, v4;
	_ =	sdelay $0x1  }
0x59: {  	[tilespmem:s28+$0xFFFFFE10] =	vst v3;
	v3 =	vld [tilespmem:s28+$0xFFFFFE20];
	_ =	sdelay $0x4  }
0x5a: {  	v3 =	vmul.f32 v3, v4;
	_ =	sdelay $0x1  }
0x5b: {  	[tilespmem:s28+$0xFFFFFE20] =	vst v3;
	v3 =	vld [tilespmem:s28+$0xFFFFFE30];
	_ =	sdelay $0x4  }
0x5c: {  	v3 =	vmul.f32 v3, v4;
	_ =	sdelay $0x1  }
0x5d: {  	[tilespmem:s28+$0xFFFFFE30] =	vst v3;
	v3 =	vld [tilespmem:s28+$0xFFFFFE40];
	_ =	sdelay $0x2  }
0x5e: {  	v50 =	vbroadcast v2, $0x1;
	_ =	sdelay $0x1  }
0x5f: {  	v3 =	vmul.f32 v3, v50;
	_ =	sdelay $0x1  }
0x60: {  	[tilespmem:s28+$0xFFFFFE40] =	vst v3;
	v3 =	vld [tilespmem:s28+$0xFFFFFE50];
	_ =	sdelay $0x4  }
0x61: {  	v3 =	vmul.f32 v3, v50;
	_ =	sdelay $0x1  }
0x62: {  	[tilespmem:s28+$0xFFFFFE50] =	vst v3;
	v3 =	vld [tilespmem:s28+$0xFFFFFE60];
	_ =	sdelay $0x4  }
0x63: {  	v3 =	vmul.f32 v3, v50;
	_ =	sdelay $0x1  }
0x64: {  	[tilespmem:s28+$0xFFFFFE60] =	vst v3;
	v3 =	vld [tilespmem:s28+$0xFFFFFE70];
	_ =	sdelay $0x4  }
0x65: {  	v3 =	vmul.f32 v3, v50;
	_ =	sdelay $0x1  }
0x66: {  	[tilespmem:s28+$0xFFFFFE70] =	vst v3;
	v3 =	vld [tilespmem:s28+$0xFFFFFE80];
	_ =	sdelay $0x2  }
0x67: {  	v51 =	vbroadcast v2, $0x2;
	_ =	sdelay $0x1  }
0x68: {  	v3 =	vmul.f32 v3, v51;
	_ =	sdelay $0x1  }
0x69: {  	[tilespmem:s28+$0xFFFFFE80] =	vst v3;
	v3 =	vld [tilespmem:s28+$0xFFFFFE90];
	_ =	sdelay $0x4  }
0x6a: {  	v3 =	vmul.f32 v3, v51;
	_ =	sdelay $0x1  }
0x6b: {  	[tilespmem:s28+$0xFFFFFE90] =	vst v3;
	v3 =	vld [tilespmem:s28+$0xFFFFFEA0];
	_ =	sdelay $0x4  }
0x6c: {  	v3 =	vmul.f32 v3, v51;
	_ =	sdelay $0x1  }
0x6d: {  	[tilespmem:s28+$0xFFFFFEA0] =	vst v3;
	v3 =	vld [tilespmem:s28+$0xFFFFFEB0];
	_ =	sdelay $0x4  }
0x6e: {  	v3 =	vmul.f32 v3, v51;
	_ =	sdelay $0x1  }
0x6f: {  	[tilespmem:s28+$0xFFFFFEB0] =	vst v3;
	v3 =	vld [tilespmem:s28+$0xFFFFFEC0];
	_ =	sdelay $0x2  }
0x70: {  	v52 =	vbroadcast v2, $0x3;
	_ =	sdelay $0x1  }
0x71: {  	v3 =	vmul.f32 v3, v52;
	_ =	sdelay $0x1  }
0x72: {  	[tilespmem:s28+$0xFFFFFEC0] =	vst v3;
	v3 =	vld [tilespmem:s28+$0xFFFFFED0];
	_ =	sdelay $0x4  }
0x73: {  	v3 =	vmul.f32 v3, v52;
	_ =	sdelay $0x1  }
0x74: {  	[tilespmem:s28+$0xFFFFFED0] =	vst v3;
	v3 =	vld [tilespmem:s28+$0xFFFFFEE0];
	_ =	sdelay $0x4  }
0x75: {  	v3 =	vmul.f32 v3, v52;
	_ =	sdelay $0x1  }
0x76: {  	[tilespmem:s28+$0xFFFFFEE0] =	vst v3;
	v3 =	vld [tilespmem:s28+$0xFFFFFEF0];
	_ =	sdelay $0x4  }
0x77: {  	v3 =	vmul.f32 v3, v52;
	_ =	sdelay $0x1  }
0x78: {  	[tilespmem:s28+$0xFFFFFEF0] =	vst v3;
	v3 =	vld [tilespmem:s28+$0xFFFFFF00];
	_ =	sdelay $0x2  }
0x79: {  	v53 =	vbroadcast v2, $0x4;
	_ =	sdelay $0x1  }
0x7a: {  	v3 =	vmul.f32 v3, v53;
	_ =	sdelay $0x1  }
0x7b: {  	[tilespmem:s28+$0xFFFFFF00] =	vst v3;
	v3 =	vld [tilespmem:s28+$0xFFFFFF10];
	_ =	sdelay $0x4  }
0x7c: {  	v3 =	vmul.f32 v3, v53;
	_ =	sdelay $0x1  }
0x7d: {  	[tilespmem:s28+$0xFFFFFF10] =	vst v3;
	v3 =	vld [tilespmem:s28+$0xFFFFFF20];
	_ =	sdelay $0x4  }
0x7e: {  	v3 =	vmul.f32 v3, v53;
	_ =	sdelay $0x1  }
0x7f: {  	[tilespmem:s28+$0xFFFFFF20] =	vst v3;
	v3 =	vld [tilespmem:s28+$0xFFFFFF30];
	_ =	sdelay $0x4  }
0x80: {  	v3 =	vmul.f32 v3, v53;
	_ =	sdelay $0x1  }
0x81: {  	[tilespmem:s28+$0xFFFFFF30] =	vst v3;
	v3 =	vld [tilespmem:s28+$0xFFFFFF40];
	_ =	sdelay $0x2  }
0x82: {  	v54 =	vbroadcast v2, $0x5;
	_ =	sdelay $0x1  }
0x83: {  	v3 =	vmul.f32 v3, v54;
	_ =	sdelay $0x1  }
0x84: {  	[tilespmem:s28+$0xFFFFFF40] =	vst v3;
	v3 =	vld [tilespmem:s28+$0xFFFFFF50];
	_ =	sdelay $0x4  }
0x85: {  	v3 =	vmul.f32 v3, v54;
	_ =	sdelay $0x1  }
0x86: {  	[tilespmem:s28+$0xFFFFFF50] =	vst v3;
	v3 =	vld [tilespmem:s28+$0xFFFFFF60];
	_ =	sdelay $0x4  }
0x87: {  	v3 =	vmul.f32 v3, v54;
	_ =	sdelay $0x1  }
0x88: {  	[tilespmem:s28+$0xFFFFFF60] =	vst v3;
	v3 =	vld [tilespmem:s28+$0xFFFFFF70];
	_ =	sdelay $0x4  }
0x89: {  	v3 =	vmul.f32 v3, v54;
	_ =	sdelay $0x1  }
0x8a: {  	[tilespmem:s28+$0xFFFFFF70] =	vst v3;
	v3 =	vld [tilespmem:s28+$0xFFFFFF80];
	_ =	sdelay $0x2  }
0x8b: {  	v55 =	vbroadcast v2, $0x6;
	_ =	sdelay $0x1  }
0x8c: {  	v3 =	vmul.f32 v3, v55;
	_ =	sdelay $0x1  }
0x8d: {  	[tilespmem:s28+$0xFFFFFF80] =	vst v3;
	v3 =	vld [tilespmem:s28+$0xFFFFFF90];
	_ =	sdelay $0x4  }
0x8e: {  	v3 =	vmul.f32 v3, v55;
	_ =	sdelay $0x1  }
0x8f: {  	[tilespmem:s28+$0xFFFFFF90] =	vst v3;
	v3 =	vld [tilespmem:s28+$0xFFFFFFA0];
	_ =	sdelay $0x4  }
0x90: {  	v3 =	vmul.f32 v3, v55;
	_ =	sdelay $0x1  }
0x91: {  	[tilespmem:s28+$0xFFFFFFA0] =	vst v3;
	v3 =	vld [tilespmem:s28+$0xFFFFFFB0];
	_ =	sdelay $0x4  }
0x92: {  	v3 =	vmul.f32 v3, v55;
	_ =	sdelay $0x1  }
0x93: {  	[tilespmem:s28+$0xFFFFFFB0] =	vst v3;
	v3 =	vld [tilespmem:s28+$0xFFFFFFC0];
	_ =	sdelay $0x2  }
0x94: {  	v56 =	vbroadcast v2, $0x7;
	_ =	sdelay $0x1  }
0x95: {  	v3 =	vmul.f32 v3, v56;
	_ =	sdelay $0x1  }
0x96: {  	[tilespmem:s28+$0xFFFFFFC0] =	vst v3;
	v3 =	vld [tilespmem:s28+$0xFFFFFFD0];
	_ =	sdelay $0x4  }
0x97: {  	v3 =	vmul.f32 v3, v56;
	_ =	sdelay $0x1  }
0x98: {  	[tilespmem:s28+$0xFFFFFFD0] =	vst v3;
	v3 =	vld [tilespmem:s28+$0xFFFFFFE0];
	_ =	sdelay $0x4  }
0x99: {  	v3 =	vmul.f32 v3, v56;
	_ =	sdelay $0x1  }
0x9a: {  	[tilespmem:s28+$0xFFFFFFE0] =	vst v3;
	v3 =	vld [tilespmem:s28+$0xFFFFFFF0];
	_ =	sdelay $0x4  }
0x9b: {  	v3 =	vmul.f32 v3, v56;
	_ =	sdelay $0x1  }
0x9c: {  	[tilespmem:s28+$0xFFFFFFF0] =	vst v3;
	v3 =	vld [tilespmem:s28+$0x0];
	_ =	sdelay $0x2  }
0x9d: {  	v57 =	vbroadcast v2, $0x8;
	_ =	sdelay $0x1  }
0x9e: {  	v3 =	vmul.f32 v3, v57;
	_ =	sdelay $0x1  }
0x9f: {  	[tilespmem:s28+$0x0] =	vst v3;
	v3 =	vld [tilespmem:s28+$0x10];
	_ =	sdelay $0x4  }
0xa0: {  	v3 =	vmul.f32 v3, v57;
	_ =	sdelay $0x1  }
0xa1: {  	[tilespmem:s28+$0x10] =	vst v3;
	v3 =	vld [tilespmem:s28+$0x20];
	_ =	sdelay $0x4  }
0xa2: {  	v3 =	vmul.f32 v3, v57;
	_ =	sdelay $0x1  }
0xa3: {  	[tilespmem:s28+$0x20] =	vst v3;
	v3 =	vld [tilespmem:s28+$0x30];
	_ =	sdelay $0x4  }
0xa4: {  	v3 =	vmul.f32 v3, v57;
	_ =	sdelay $0x1  }
0xa5: {  	[tilespmem:s28+$0x30] =	vst v3;
	v3 =	vld [tilespmem:s28+$0x40];
	_ =	sdelay $0x2  }
0xa6: {  	v58 =	vbroadcast v2, $0x9;
	_ =	sdelay $0x1  }
0xa7: {  	v3 =	vmul.f32 v3, v58;
	_ =	sdelay $0x1  }
0xa8: {  	[tilespmem:s28+$0x40] =	vst v3;
	v3 =	vld [tilespmem:s28+$0x50];
	_ =	sdelay $0x4  }
0xa9: {  	v3 =	vmul.f32 v3, v58;
	_ =	sdelay $0x1  }
0xaa: {  	[tilespmem:s28+$0x50] =	vst v3;
	v3 =	vld [tilespmem:s28+$0x60];
	_ =	sdelay $0x4  }
0xab: {  	v3 =	vmul.f32 v3, v58;
	_ =	sdelay $0x1  }
0xac: {  	[tilespmem:s28+$0x60] =	vst v3;
	v3 =	vld [tilespmem:s28+$0x70];
	_ =	sdelay $0x4  }
0xad: {  	v3 =	vmul.f32 v3, v58;
	_ =	sdelay $0x1  }
0xae: {  	[tilespmem:s28+$0x70] =	vst v3;
	v3 =	vld [tilespmem:s28+$0x80];
	_ =	sdelay $0x2  }
0xaf: {  	v59 =	vbroadcast v2, $0xA;
	_ =	sdelay $0x1  }
0xb0: {  	v3 =	vmul.f32 v3, v59;
	_ =	sdelay $0x1  }
0xb1: {  	[tilespmem:s28+$0x80] =	vst v3;
	v3 =	vld [tilespmem:s28+$0x90];
	_ =	sdelay $0x4  }
0xb2: {  	v3 =	vmul.f32 v3, v59;
	_ =	sdelay $0x1  }
0xb3: {  	[tilespmem:s28+$0x90] =	vst v3;
	v3 =	vld [tilespmem:s28+$0xA0];
	_ =	sdelay $0x4  }
0xb4: {  	v3 =	vmul.f32 v3, v59;
	_ =	sdelay $0x1  }
0xb5: {  	[tilespmem:s28+$0xA0] =	vst v3;
	v3 =	vld [tilespmem:s28+$0xB0];
	_ =	sdelay $0x4  }
0xb6: {  	v3 =	vmul.f32 v3, v59;
	_ =	sdelay $0x1  }
0xb7: {  	[tilespmem:s28+$0xB0] =	vst v3;
	v3 =	vld [tilespmem:s28+$0xC0];
	_ =	sdelay $0x2  }
0xb8: {  	v60 =	vbroadcast v2, $0xB;
	_ =	sdelay $0x1  }
0xb9: {  	v3 =	vmul.f32 v3, v60;
	_ =	sdelay $0x1  }
0xba: {  	[tilespmem:s28+$0xC0] =	vst v3;
	v3 =	vld [tilespmem:s28+$0xD0];
	_ =	sdelay $0x4  }
0xbb: {  	v3 =	vmul.f32 v3, v60;
	_ =	sdelay $0x1  }
0xbc: {  	[tilespmem:s28+$0xD0] =	vst v3;
	v3 =	vld [tilespmem:s28+$0xE0];
	_ =	sdelay $0x4  }
0xbd: {  	v3 =	vmul.f32 v3, v60;
	_ =	sdelay $0x1  }
0xbe: {  	[tilespmem:s28+$0xE0] =	vst v3;
	v3 =	vld [tilespmem:s28+$0xF0];
	_ =	sdelay $0x4  }
0xbf: {  	v3 =	vmul.f32 v3, v60;
	_ =	sdelay $0x1  }
0xc0: {  	[tilespmem:s28+$0xF0] =	vst v3;
	v3 =	vld [tilespmem:s28+$0x100];
	_ =	sdelay $0x2  }
0xc1: {  	v61 =	vbroadcast v2, $0xC;
	_ =	sdelay $0x1  }
0xc2: {  	v3 =	vmul.f32 v3, v61;
	_ =	sdelay $0x1  }
0xc3: {  	[tilespmem:s28+$0x100] =	vst v3;
	v3 =	vld [tilespmem:s28+$0x110];
	_ =	sdelay $0x4  }
0xc4: {  	v3 =	vmul.f32 v3, v61;
	_ =	sdelay $0x1  }
0xc5: {  	[tilespmem:s28+$0x110] =	vst v3;
	v3 =	vld [tilespmem:s28+$0x120];
	_ =	sdelay $0x4  }
0xc6: {  	v3 =	vmul.f32 v3, v61;
	_ =	sdelay $0x1  }
0xc7: {  	[tilespmem:s28+$0x120] =	vst v3;
	v3 =	vld [tilespmem:s28+$0x130];
	_ =	sdelay $0x4  }
0xc8: {  	v3 =	vmul.f32 v3, v61;
	_ =	sdelay $0x1  }
0xc9: {  	[tilespmem:s28+$0x130] =	vst v3;
	v3 =	vld [tilespmem:s28+$0x140];
	_ =	sdelay $0x2  }
0xca: {  	v62 =	vbroadcast v2, $0xD;
	_ =	sdelay $0x1  }
0xcb: {  	v3 =	vmul.f32 v3, v62;
	_ =	sdelay $0x1  }
0xcc: {  	[tilespmem:s28+$0x140] =	vst v3;
	v3 =	vld [tilespmem:s28+$0x150];
	_ =	sdelay $0x4  }
0xcd: {  	v3 =	vmul.f32 v3, v62;
	_ =	sdelay $0x1  }
0xce: {  	[tilespmem:s28+$0x150] =	vst v3;
	v3 =	vld [tilespmem:s28+$0x160];
	_ =	sdelay $0x4  }
0xcf: {  	v3 =	vmul.f32 v3, v62;
	_ =	sdelay $0x1  }
0xd0: {  	[tilespmem:s28+$0x160] =	vst v3;
	v3 =	vld [tilespmem:s28+$0x170];
	_ =	sdelay $0x4  }
0xd1: {  	v3 =	vmul.f32 v3, v62;
	_ =	sdelay $0x1  }
0xd2: {  	[tilespmem:s28+$0x170] =	vst v3;
	v3 =	vld [tilespmem:s28+$0x180];
	_ =	sdelay $0x2  }
0xd3: {  	v63 =	vbroadcast v2, $0xE;
	_ =	sdelay $0x1  }
0xd4: {  	v3 =	vmul.f32 v3, v63;
	_ =	sdelay $0x1  }
0xd5: {  	[tilespmem:s28+$0x180] =	vst v3;
	v3 =	vld [tilespmem:s28+$0x190];
	_ =	sdelay $0x4  }
0xd6: {  	v3 =	vmul.f32 v3, v63;
	_ =	sdelay $0x1  }
0xd7: {  	[tilespmem:s28+$0x190] =	vst v3;
	v3 =	vld [tilespmem:s28+$0x1A0];
	_ =	sdelay $0x4  }
0xd8: {  	v3 =	vmul.f32 v3, v63;
	_ =	sdelay $0x1  }
0xd9: {  	[tilespmem:s28+$0x1A0] =	vst v3;
	v3 =	vld [tilespmem:s28+$0x1B0];
	_ =	sdelay $0x4  }
0xda: {  	v3 =	vmul.f32 v3, v63;
	_ =	sdelay $0x1  }
0xdb: {  	[tilespmem:s28+$0x1B0] =	vst v3;
	v3 =	vld [tilespmem:s28+$0x1C0];
	_ =	sdelay $0x2  }
0xdc: {  	v2 =	vbroadcast v2, $0xF;
	_ =	sdelay $0x1  }
0xdd: {  	v3 =	vmul.f32 v3, v2;
	_ =	sdelay $0x1  }
0xde: {  	[tilespmem:s28+$0x1C0] =	vst v3;
	v3 =	vld [tilespmem:s28+$0x1D0];
	_ =	sdelay $0x4  }
0xdf: {  	v3 =	vmul.f32 v3, v2;
	_ =	sdelay $0x1  }
0xe0: {  	[tilespmem:s28+$0x1D0] =	vst v3;
	v3 =	vld [tilespmem:s28+$0x1E0];
	_ =	sdelay $0x4  }
0xe1: {  	v3 =	vmul.f32 v3, v2;
	_ =	sdelay $0x1  }
0xe2: {  	[tilespmem:s28+$0x1E0] =	vst v3;
	v3 =	vld [tilespmem:s28+$0x1F0];
	_ =	sdelay $0x1  }
0xe3: {  	p0 =	sne.s32 s29, $0x100  }
.Ltmp2:
0xe4: {  	_ = 	snop;
	(pc) =	sbr.rel @p0 .LBB2_7-.Ltmp2, $3  }
0xe5: {  	_ = 	snop  }
0xe6: {  	v2 =	vmul.f32 v3, v2;
	_ =	sdelay $0x1  }
0xe7: {  	s29 =	sadd.s32 $0x40, s29;
	[tilespmem:s28+$0x1F0] =	vst v2;
	s28 =	sadd.s32 $0x400, s28  }
0xe8: {  	p0 =	slt.u32 s24, $0xFA  }
.Ltmp3:
0xe9: {  	_ = 	snop;
	(pc) =	sbr.rel @p0 .LBB2_4-.Ltmp3, $4  }
0xea: {  	_ = 	snop  }
0xeb: {  	s23 =	sadd.s32 $0x3, s23  }
0xec: {  	[spmem:s2] =	stream.indirect.scatter.add.f32 [tilespmem:s26], [sflag:s23], $0x40, s25, s19, $0xb8;
	[tilespmem:$0x1D260] =	vst v63  }
0xed: {  	s25 =	smov.u32 s24  }
0xee: {  	_ =	swait.ge [sflag:s21], $0x1400  }
0xef: {  	s23 =	sshll.u32 s1, $0x6;
	s22 =	sadd.s32 $0x1, s22;
	[sflag:s21] =	ssyncset.done $0x0  }
0xf0: {  	s24 =	sshrl.u32 s7, $0x3;
	p0 =	sne.s32 s22, s14;
	[sflag:s21] =	ssyncadd.s32 $0xFFFFEC00  }
.Ltmp4:
0xf1: {  	s23 =	sor.u32 $0x1C05, s23;
	[bflag:$0x0] =	sbarrier.arrive $0xFFFF;
	(pc) =	sbr.rel @p0 .LBB2_1-.Ltmp4, $4  }
0xf2: {  	[hbm:s13], [sflag:s23] =	dma.local [spmem:s24], $0x1400  }
0xf3: {  	_ =	swait.ge [sflag:s15], $0x1400  }
0xf4: {  	[sflag:s15] =	ssyncset.done $0x0  }
0xf5: {  	[sflag:s15] =	ssyncadd.s32 $0xFFFFEC00  }
0xf6: {  	_ =	sfence.sel $0x180000  }
0xf7: {  	[bflag:$0x0] =	sbarrier.arrive $0xFFFF  }
0xf8: {  	p0 =	sne.s32 s1, $0x0;
	_ =	strace $0x90000047  }
0xf9: {  	s0 =	sadd.s32 @!p0 $0x100000, s0;
	[bflag:$0x2] =	sbarrier.arrive $0xFFFF  }
0xfa: {  	[sflag:s0] =	ssyncadd.tile.s32 @!p0 $0x1;
	_ =	shalt  }
.Lfunc_end2:
_tile_overlayer_lowered:
.L_overlay_start_2:
0xfb: {  	(tag) =	ssettag $0x2  }
0xfc: {  	s0 =	rddreg [dreg:$0x0];
	s2 =	stileid.u32  }
0xfd: {  	s1 =	rddreg [dreg:$0x1];
	p0 =	sne.s32 s2, $0x0  }
0xfe: {  	s3 =	rddreg [dreg:$0x2];
	[bflag:$0x3] =	sbarrier.arrive $0xFFFF;
	s2 =	simm.s32 @!p0 $0x1C05  }
0xff: {  	[timem:s3], [sflag:s2] =	dma.local @!p0 [hbm:s0], s1  }
0x100: {  	s0 =	simm.s32 @!p0 $0x5  }
0x101: {  	_ =	swait.ge @!p0 [sflag:s0], s1  }
0x102: {  	s1 =	ssub.s32 @!p0 $0x0, s1;
	[sflag:s0] =	ssyncset.done @!p0 $0x0  }
0x103: {  	[sflag:s0] =	ssyncadd.s32 @!p0 s1  }
0x104: {  	[bflag:$0x3] =	sbarrier.arrive $0xFFFF  }
0x105: {  	_ =	shalt  }

</sc_bundles>
